<compile_context>
chip_gen: v7x
topology: tpu7x:2x2x1
jax: 0.10.2.dev20260603
libtpu: 0.0.44.dev20260713+nightly
codegen_flags: <defaults>
</compile_context>

<pallas_src>
import functools

import jax
import jax.numpy as jnp
from jax import lax
from jax.experimental import pallas as pl
from jax.experimental.pallas import tpu as pltpu
from jax.experimental.pallas import tpu_sc as plsc


def _sc_fused_gather(X_domains, aT, tabT):
    info = plsc.get_sparse_core_info()
    nc, ns = info.num_cores, info.num_subcores
    nw = nc * ns
    arity, B = aT.shape
    D = tabT.shape[0]
    bpw = B // nw
    mesh = plsc.VectorSubcoreMesh(core_axis_name="c", subcore_axis_name="s",
                                  num_cores=nc)

    @functools.partial(
        pl.kernel,
        out_type=(jax.ShapeDtypeStruct((D, B), jnp.float32),
                  jax.ShapeDtypeStruct((D, B), jnp.float32)),
        mesh=mesh,
        scratch_types=[
            pltpu.VMEM((arity, bpw), jnp.int32),
            pltpu.VMEM((bpw,), jnp.int32),
            pltpu.VMEM((bpw,), jnp.int32),
            pltpu.VMEM((D, bpw), jnp.float32),
            pltpu.VMEM((D, bpw), jnp.float32),
            pltpu.SemaphoreType.DMA,
            pltpu.SemaphoreType.DMA,
        ],
        compiler_params=pltpu.CompilerParams(use_tc_tiling_on_sc=False),
    )
    def gather_kernel(xdom, a_hbm, tab, ehT_out, etT_out,
                      a2_v, ih_v, it_v, ehT_v, etT_v, sem_h, sem_t):
        wid = lax.axis_index("s") * nc + lax.axis_index("c")
        base = wid * bpw
        pltpu.sync_copy(a_hbm.at[:, pl.ds(base, bpw)], a2_v)
        ch = pltpu.async_copy(xdom.at[a2_v.at[0]], ih_v, sem_h)
        ct = pltpu.async_copy(xdom.at[a2_v.at[1]], it_v, sem_t)
        ch.wait()
        ct.wait()
        copies = []
        for f in range(D):
            copies.append(pltpu.async_copy(
                tab.at[f].at[ih_v], ehT_v.at[f], sem_h))
            copies.append(pltpu.async_copy(
                tab.at[f].at[it_v], etT_v.at[f], sem_t))
        for c in copies:
            c.wait()
        pltpu.sync_copy(ehT_v, ehT_out.at[:, pl.ds(base, bpw)])
        pltpu.sync_copy(etT_v, etT_out.at[:, pl.ds(base, bpw)])

    return gather_kernel(X_domains, aT, tabT)


def _mm_body(ehT_ref, etT_ref, w_ref, b_ref, o_ref):
    ehT = ehT_ref[...]
    etT = etT_ref[...]
    D = ehT.shape[0]
    dn = (((0,), (0,)), ((), ()))
    hp = jax.lax.Precision.HIGHEST
    acc = lax.dot_general(ehT, w_ref[0:D, :], dn, precision=hp,
                          preferred_element_type=jnp.float32)
    acc = acc + lax.dot_general(etT, w_ref[D:2 * D, :], dn, precision=hp,
                                preferred_element_type=jnp.float32)
    acc = acc + lax.dot_general(ehT * etT, w_ref[2 * D:3 * D, :], dn,
                                precision=hp,
                                preferred_element_type=jnp.float32)
    o_ref[...] = jnp.tanh(acc + b_ref[...])


def _tc_embed(ehT, etT, W, b):
    D, B = ehT.shape
    K, A = W.shape
    blk = 2048
    return pl.pallas_call(
        _mm_body,
        grid=(B // blk,),
        in_specs=[
            pl.BlockSpec((D, blk), lambda i: (0, i)),
            pl.BlockSpec((D, blk), lambda i: (0, i)),
            pl.BlockSpec((K, A), lambda i: (0, 0)),
            pl.BlockSpec((A,), lambda i: (0,)),
        ],
        out_specs=pl.BlockSpec((blk, A), lambda i: (i, 0)),
        out_shape=jax.ShapeDtypeStruct((B, A), jnp.float32),
    )(ehT, etT, W, b)


def kernel(X_domains, A_predicates, table, W, b):
    aT = A_predicates.T
    tabT = table.T
    ehT, etT = _sc_fused_gather(X_domains, aT, tabT)
    return _tc_embed(ehT, etT, W, b)

# --- scband reference (transcript-rebuilt; emitter-appended) ---
"""Pipeline reference for scband-input-layer-59210419143285 (READ-ONLY COPY).

The authoritative reference and input builder live on the scoring server;
editing this copy changes nothing except your own understanding.
"""

import jax, jax.numpy as jnp
import numpy as np

VOCAB = 1000000            # num constants in domain 'entities'
CONST_DIM = 16             # constant_embedding_size
ATOM_DIM = 32              # kge_atom_embedding_size
N_ACTIVE = 100000          # constants referenced in this batch (X_domains)
N_ATOMS = 16384            # grounded atoms for predicate 'related_to' (arity 2)
ARITY = 2


def setup_inputs(seed: int = 0) -> dict:
    key = jax.random.key(seed)
    k1, k2, k3, k4, k5 = jax.random.split(key, 5)
    # forward inputs
    X_domains = jax.random.randint(k1, (N_ACTIVE,), 0, VOCAB, dtype=jnp.int64 if jax.config.jax_enable_x64 else jnp.int32)
    A_predicates = jax.random.randint(k2, (N_ATOMS, ARITY), 0, N_ACTIVE, dtype=jnp.int64 if jax.config.jax_enable_x64 else jnp.int32)
    # learned parameters
    table = jax.random.normal(k3, (VOCAB, CONST_DIM), dtype=jnp.float32) * 0.02   # ConstantEmbeddings table for domain 'entities'
    W = jax.random.normal(k4, (3 * CONST_DIM, ATOM_DIM), dtype=jnp.float32) * (1.0 / np.sqrt(3 * CONST_DIM))  # AtomEmbeddingLayer dense
    b = jnp.zeros((ATOM_DIM,), dtype=jnp.float32)
    return {"X_domains": X_domains, "A_predicates": A_predicates, "table": table, "W": W, "b": b}


def reference(X_domains, A_predicates, table, W, b):
    # ConstantEmbeddings: gather constant embeddings for the active constants of the domain
    constant_embeddings = jnp.take(table, X_domains, axis=0)            # [N_ACTIVE, CONST_DIM]
    # AtomEmbeddingLayer (DistMult-style KGE embedder over arity-2 atoms):
    # gather argument embeddings per atom
    e_h = jnp.take(constant_embeddings, A_predicates[:, 0], axis=0)      # [N_ATOMS, CONST_DIM]
    e_t = jnp.take(constant_embeddings, A_predicates[:, 1], axis=0)      # [N_ATOMS, CONST_DIM]
    feat = jnp.concatenate([e_h, e_t, e_h * e_t], axis=-1)               # [N_ATOMS, 3*CONST_DIM]
    kge_atom_embeddings = jnp.tanh(feat @ W + b)                          # [N_ATOMS, ATOM_DIM]
    return kge_atom_embeddings

if __name__ == "__main__":
    import jax
    _d = setup_inputs()
    print(jax.jit(kernel)(*tuple(_d.values())))

</pallas_src>

<mosaic_0001>
#map = affine_map<(d0, d1) -> (0)>
#map1 = affine_map<(d0, d1) -> (0, 0)>
module attributes {stable_mosaic.version = 14 : i64} {
  func.func @gather_kernel(%arg0: i32, %arg1: i32, %arg2: memref<100000xi32, #tpu.memory_space<hbm>>, %arg3: memref<2x16384xi32, #tpu.memory_space<hbm>>, %arg4: memref<16x1000000xf32, #tpu.memory_space<hbm>>, %arg5: memref<16x16384xf32, #tpu.memory_space<hbm>>, %arg6: memref<16x16384xf32, #tpu.memory_space<hbm>>, %arg7: memref<2x512xi32, #tpu.memory_space<vmem>>, %arg8: memref<512xi32, #tpu.memory_space<vmem>>, %arg9: memref<512xi32, #tpu.memory_space<vmem>>, %arg10: memref<16x512xf32, #tpu.memory_space<vmem>>, %arg11: memref<16x512xf32, #tpu.memory_space<vmem>>, %arg12: memref<!tpu.dma_semaphore, #tpu.memory_space<semaphore_mem>>, %arg13: memref<!tpu.dma_semaphore, #tpu.memory_space<semaphore_mem>>) attributes {dimension_semantics = [#tpu.dimension_semantics<core_parallel>, #tpu.dimension_semantics<subcore_parallel>], iteration_bounds = array<i64: 2, 16>, scalar_prefetch = 0 : i64, scratch_operands = 7 : i64, tpu.core_type = #tpu.core_type<sc_vector_subcore>, window_params = [{transform_indices = #map}, {transform_indices = #map1}, {transform_indices = #map1}, {transform_indices = #map1}, {transform_indices = #map1}]} {
    %mul3A = arith.constant 2 : i32
    %mul3A_0 = arith.muli %arg1, %mul3A : i32
    %add3A = arith.addi %mul3A_0, %arg0 : i32
    %mul3A_1 = arith.constant 512 : i32
    %mul3A_2 = arith.muli %add3A, %mul3A_1 : i32
    "tpu.region"() ({
      %run_scoped3A = tpu.sem_alloc : memref<!tpu.dma_semaphore, #tpu.memory_space<semaphore_mem>>
      %dma_start3A_665 = arith.constant 0 : i32
      %dma_start3A_666 = tpu.memref_slice %arg3[%dma_start3A_665, %mul3A_2] : memref<2x16384xi32, #tpu.memory_space<hbm>> -> memref<2x512xi32, #tpu.memory_space<hbm>>
      %dma_start3A_667 = arith.constant 0 : i32
      %dma_start3A_668 = tpu.memref_slice %arg3[%dma_start3A_667, %mul3A_2] : memref<2x16384xi32, #tpu.memory_space<hbm>> -> memref<2x512xi32, #tpu.memory_space<hbm>>
      tpu.enqueue_dma source(%dma_start3A_668 : memref<2x512xi32, #tpu.memory_space<hbm>>) target(%arg7 : memref<2x512xi32, #tpu.memory_space<vmem>>) target_semaphore(%run_scoped3A : memref<!tpu.dma_semaphore, #tpu.memory_space<semaphore_mem>>)
      %dma_wait3A_669 = arith.constant 0 : i32
      %dma_wait3A_670 = tpu.memref_slice %arg3[%dma_wait3A_669, %mul3A_2] : memref<2x16384xi32, #tpu.memory_space<hbm>> -> memref<2x512xi32, #tpu.memory_space<hbm>>
      %dma_wait3A_671 = arith.constant 0 : i32
      %dma_wait3A_672 = tpu.memref_slice %arg3[%dma_wait3A_671, %mul3A_2] : memref<2x16384xi32, #tpu.memory_space<hbm>> -> memref<2x512xi32, #tpu.memory_space<hbm>>
      tpu.wait_dma2 semaphore(%run_scoped3A : memref<!tpu.dma_semaphore, #tpu.memory_space<semaphore_mem>>) src(%dma_wait3A_672 : memref<2x512xi32, #tpu.memory_space<hbm>>) dst(%arg7 : memref<2x512xi32, #tpu.memory_space<vmem>>)
      tpu.yield
    }) : () -> ()
    %dma_start3A = arith.constant 0 : i32
    %dma_start3A_3 = arith.constant 0 : i32
    %dma_start3A_4 = tpu.memref_slice %arg7[%dma_start3A, %dma_start3A_3] : memref<2x512xi32, #tpu.memory_space<vmem>> -> memref<1x512xi32, #tpu.memory_space<vmem>>
    %dma_start3A_5 = tpu.memref_squeeze %dma_start3A_4 : memref<1x512xi32, #tpu.memory_space<vmem>> -> memref<512xi32, #tpu.memory_space<vmem>>
    %dma_start3A_6 = arith.constant 0 : i32
    %dma_start3A_7 = tpu.memref_slice %arg2[%dma_start3A_6] : memref<100000xi32, #tpu.memory_space<hbm>> -> memref<100000xi32, #tpu.memory_space<hbm>>
    tpu.enqueue_indirect_dma source(%dma_start3A_7 : memref<100000xi32, #tpu.memory_space<hbm>>) target(%arg8 : memref<512xi32, #tpu.memory_space<vmem>>) offsets(%dma_start3A_5 : memref<512xi32, #tpu.memory_space<vmem>>) semaphore(%arg12 : memref<!tpu.dma_semaphore, #tpu.memory_space<semaphore_mem>>)
    %dma_start3A_8 = arith.constant 1 : i32
    %dma_start3A_9 = arith.constant 0 : i32
    %dma_start3A_10 = tpu.memref_slice %arg7[%dma_start3A_8, %dma_start3A_9] : memref<2x512xi32, #tpu.memory_space<vmem>> -> memref<1x512xi32, #tpu.memory_space<vmem>>
    %dma_start3A_11 = tpu.memref_squeeze %dma_start3A_10 : memref<1x512xi32, #tpu.memory_space<vmem>> -> memref<512xi32, #tpu.memory_space<vmem>>
    %dma_start3A_12 = arith.constant 0 : i32
    %dma_start3A_13 = tpu.memref_slice %arg2[%dma_start3A_12] : memref<100000xi32, #tpu.memory_space<hbm>> -> memref<100000xi32, #tpu.memory_space<hbm>>
    tpu.enqueue_indirect_dma source(%dma_start3A_13 : memref<100000xi32, #tpu.memory_space<hbm>>) target(%arg9 : memref<512xi32, #tpu.memory_space<vmem>>) offsets(%dma_start3A_11 : memref<512xi32, #tpu.memory_space<vmem>>) semaphore(%arg13 : memref<!tpu.dma_semaphore, #tpu.memory_space<semaphore_mem>>)
    %dma_wait3A = arith.constant 0 : i32
    %dma_wait3A_14 = arith.constant 0 : i32
    %dma_wait3A_15 = tpu.memref_slice %arg7[%dma_wait3A, %dma_wait3A_14] : memref<2x512xi32, #tpu.memory_space<vmem>> -> memref<1x512xi32, #tpu.memory_space<vmem>>
    %dma_wait3A_16 = tpu.memref_squeeze %dma_wait3A_15 : memref<1x512xi32, #tpu.memory_space<vmem>> -> memref<512xi32, #tpu.memory_space<vmem>>
    %dma_wait3A_17 = arith.constant 0 : i32
    %dma_wait3A_18 = tpu.memref_slice %arg2[%dma_wait3A_17] : memref<100000xi32, #tpu.memory_space<hbm>> -> memref<100000xi32, #tpu.memory_space<hbm>>
    tpu.wait_indirect_dma semaphore(%arg12 : memref<!tpu.dma_semaphore, #tpu.memory_space<semaphore_mem>>) src(%dma_wait3A_18 : memref<100000xi32, #tpu.memory_space<hbm>>) dst(%arg8 : memref<512xi32, #tpu.memory_space<vmem>>)
    %dma_wait3A_19 = arith.constant 1 : i32
    %dma_wait3A_20 = arith.constant 0 : i32
    %dma_wait3A_21 = tpu.memref_slice %arg7[%dma_wait3A_19, %dma_wait3A_20] : memref<2x512xi32, #tpu.memory_space<vmem>> -> memref<1x512xi32, #tpu.memory_space<vmem>>
    %dma_wait3A_22 = tpu.memref_squeeze %dma_wait3A_21 : memref<1x512xi32, #tpu.memory_space<vmem>> -> memref<512xi32, #tpu.memory_space<vmem>>
    %dma_wait3A_23 = arith.constant 0 : i32
    %dma_wait3A_24 = tpu.memref_slice %arg2[%dma_wait3A_23] : memref<100000xi32, #tpu.memory_space<hbm>> -> memref<100000xi32, #tpu.memory_space<hbm>>
    tpu.wait_indirect_dma semaphore(%arg13 : memref<!tpu.dma_semaphore, #tpu.memory_space<semaphore_mem>>) src(%dma_wait3A_24 : memref<100000xi32, #tpu.memory_space<hbm>>) dst(%arg9 : memref<512xi32, #tpu.memory_space<vmem>>)
    %dma_start3A_25 = arith.constant 0 : i32
    %dma_start3A_26 = arith.constant 0 : i32
    %dma_start3A_27 = arith.constant 0 : i32
    %dma_start3A_28 = tpu.memref_slice %arg10[%dma_start3A_26, %dma_start3A_27] : memref<16x512xf32, #tpu.memory_space<vmem>> -> memref<1x512xf32, #tpu.memory_space<vmem>>
    %dma_start3A_29 = tpu.memref_squeeze %dma_start3A_28 : memref<1x512xf32, #tpu.memory_space<vmem>> -> memref<512xf32, #tpu.memory_space<vmem>>
    %dma_start3A_30 = arith.constant 0 : i32
    %dma_start3A_31 = tpu.memref_slice %arg4[%dma_start3A_25, %dma_start3A_30] : memref<16x1000000xf32, #tpu.memory_space<hbm>> -> memref<1x1000000xf32, #tpu.memory_space<hbm>>
    %dma_start3A_32 = tpu.memref_squeeze %dma_start3A_31 : memref<1x1000000xf32, #tpu.memory_space<hbm>> -> memref<1000000xf32, #tpu.memory_space<hbm>>
    %dma_start3A_33 = arith.constant 0 : i32
    %dma_start3A_34 = tpu.memref_slice %dma_start3A_32[%dma_start3A_33] : memref<1000000xf32, #tpu.memory_space<hbm>> -> memref<1000000xf32, #tpu.memory_space<hbm>>
    tpu.enqueue_indirect_dma source(%dma_start3A_34 : memref<1000000xf32, #tpu.memory_space<hbm>>) target(%dma_start3A_29 : memref<512xf32, #tpu.memory_space<vmem>>) offsets(%arg8 : memref<512xi32, #tpu.memory_space<vmem>>) semaphore(%arg12 : memref<!tpu.dma_semaphore, #tpu.memory_space<semaphore_mem>>)
    %dma_start3A_35 = arith.constant 0 : i32
    %dma_start3A_36 = arith.constant 0 : i32
    %dma_start3A_37 = arith.constant 0 : i32
    %dma_start3A_38 = tpu.memref_slice %arg11[%dma_start3A_36, %dma_start3A_37] : memref<16x512xf32, #tpu.memory_space<vmem>> -> memref<1x512xf32, #tpu.memory_space<vmem>>
    %dma_start3A_39 = tpu.memref_squeeze %dma_start3A_38 : memref<1x512xf32, #tpu.memory_space<vmem>> -> memref<512xf32, #tpu.memory_space<vmem>>
    %dma_start3A_40 = arith.constant 0 : i32
    %dma_start3A_41 = tpu.memref_slice %arg4[%dma_start3A_35, %dma_start3A_40] : memref<16x1000000xf32, #tpu.memory_space<hbm>> -> memref<1x1000000xf32, #tpu.memory_space<hbm>>
    %dma_start3A_42 = tpu.memref_squeeze %dma_start3A_41 : memref<1x1000000xf32, #tpu.memory_space<hbm>> -> memref<1000000xf32, #tpu.memory_space<hbm>>
    %dma_start3A_43 = arith.constant 0 : i32
    %dma_start3A_44 = tpu.memref_slice %dma_start3A_42[%dma_start3A_43] : memref<1000000xf32, #tpu.memory_space<hbm>> -> memref<1000000xf32, #tpu.memory_space<hbm>>
    tpu.enqueue_indirect_dma source(%dma_start3A_44 : memref<1000000xf32, #tpu.memory_space<hbm>>) target(%dma_start3A_39 : memref<512xf32, #tpu.memory_space<vmem>>) offsets(%arg9 : memref<512xi32, #tpu.memory_space<vmem>>) semaphore(%arg13 : memref<!tpu.dma_semaphore, #tpu.memory_space<semaphore_mem>>)
    %dma_start3A_45 = arith.constant 1 : i32
    %dma_start3A_46 = arith.constant 1 : i32
    %dma_start3A_47 = arith.constant 0 : i32
    %dma_start3A_48 = tpu.memref_slice %arg10[%dma_start3A_46, %dma_start3A_47] : memref<16x512xf32, #tpu.memory_space<vmem>> -> memref<1x512xf32, #tpu.memory_space<vmem>>
    %dma_start3A_49 = tpu.memref_squeeze %dma_start3A_48 : memref<1x512xf32, #tpu.memory_space<vmem>> -> memref<512xf32, #tpu.memory_space<vmem>>
    %dma_start3A_50 = arith.constant 0 : i32
    %dma_start3A_51 = tpu.memref_slice %arg4[%dma_start3A_45, %dma_start3A_50] : memref<16x1000000xf32, #tpu.memory_space<hbm>> -> memref<1x1000000xf32, #tpu.memory_space<hbm>>
    %dma_start3A_52 = tpu.memref_squeeze %dma_start3A_51 : memref<1x1000000xf32, #tpu.memory_space<hbm>> -> memref<1000000xf32, #tpu.memory_space<hbm>>
    %dma_start3A_53 = arith.constant 0 : i32
    %dma_start3A_54 = tpu.memref_slice %dma_start3A_52[%dma_start3A_53] : memref<1000000xf32, #tpu.memory_space<hbm>> -> memref<1000000xf32, #tpu.memory_space<hbm>>
    tpu.enqueue_indirect_dma source(%dma_start3A_54 : memref<1000000xf32, #tpu.memory_space<hbm>>) target(%dma_start3A_49 : memref<512xf32, #tpu.memory_space<vmem>>) offsets(%arg8 : memref<512xi32, #tpu.memory_space<vmem>>) semaphore(%arg12 : memref<!tpu.dma_semaphore, #tpu.memory_space<semaphore_mem>>)
    %dma_start3A_55 = arith.constant 1 : i32
    %dma_start3A_56 = arith.constant 1 : i32
    %dma_start3A_57 = arith.constant 0 : i32
    %dma_start3A_58 = tpu.memref_slice %arg11[%dma_start3A_56, %dma_start3A_57] : memref<16x512xf32, #tpu.memory_space<vmem>> -> memref<1x512xf32, #tpu.memory_space<vmem>>
    %dma_start3A_59 = tpu.memref_squeeze %dma_start3A_58 : memref<1x512xf32, #tpu.memory_space<vmem>> -> memref<512xf32, #tpu.memory_space<vmem>>
    %dma_start3A_60 = arith.constant 0 : i32
    %dma_start3A_61 = tpu.memref_slice %arg4[%dma_start3A_55, %dma_start3A_60] : memref<16x1000000xf32, #tpu.memory_space<hbm>> -> memref<1x1000000xf32, #tpu.memory_space<hbm>>
    %dma_start3A_62 = tpu.memref_squeeze %dma_start3A_61 : memref<1x1000000xf32, #tpu.memory_space<hbm>> -> memref<1000000xf32, #tpu.memory_space<hbm>>
    %dma_start3A_63 = arith.constant 0 : i32
    %dma_start3A_64 = tpu.memref_slice %dma_start3A_62[%dma_start3A_63] : memref<1000000xf32, #tpu.memory_space<hbm>> -> memref<1000000xf32, #tpu.memory_space<hbm>>
    tpu.enqueue_indirect_dma source(%dma_start3A_64 : memref<1000000xf32, #tpu.memory_space<hbm>>) target(%dma_start3A_59 : memref<512xf32, #tpu.memory_space<vmem>>) offsets(%arg9 : memref<512xi32, #tpu.memory_space<vmem>>) semaphore(%arg13 : memref<!tpu.dma_semaphore, #tpu.memory_space<semaphore_mem>>)
    %dma_start3A_65 = arith.constant 2 : i32
    %dma_start3A_66 = arith.constant 2 : i32
    %dma_start3A_67 = arith.constant 0 : i32
    %dma_start3A_68 = tpu.memref_slice %arg10[%dma_start3A_66, %dma_start3A_67] : memref<16x512xf32, #tpu.memory_space<vmem>> -> memref<1x512xf32, #tpu.memory_space<vmem>>
    %dma_start3A_69 = tpu.memref_squeeze %dma_start3A_68 : memref<1x512xf32, #tpu.memory_space<vmem>> -> memref<512xf32, #tpu.memory_space<vmem>>
    %dma_start3A_70 = arith.constant 0 : i32
    %dma_start3A_71 = tpu.memref_slice %arg4[%dma_start3A_65, %dma_start3A_70] : memref<16x1000000xf32, #tpu.memory_space<hbm>> -> memref<1x1000000xf32, #tpu.memory_space<hbm>>
    %dma_start3A_72 = tpu.memref_squeeze %dma_start3A_71 : memref<1x1000000xf32, #tpu.memory_space<hbm>> -> memref<1000000xf32, #tpu.memory_space<hbm>>
    %dma_start3A_73 = arith.constant 0 : i32
    %dma_start3A_74 = tpu.memref_slice %dma_start3A_72[%dma_start3A_73] : memref<1000000xf32, #tpu.memory_space<hbm>> -> memref<1000000xf32, #tpu.memory_space<hbm>>
    tpu.enqueue_indirect_dma source(%dma_start3A_74 : memref<1000000xf32, #tpu.memory_space<hbm>>) target(%dma_start3A_69 : memref<512xf32, #tpu.memory_space<vmem>>) offsets(%arg8 : memref<512xi32, #tpu.memory_space<vmem>>) semaphore(%arg12 : memref<!tpu.dma_semaphore, #tpu.memory_space<semaphore_mem>>)
    %dma_start3A_75 = arith.constant 2 : i32
    %dma_start3A_76 = arith.constant 2 : i32
    %dma_start3A_77 = arith.constant 0 : i32
    %dma_start3A_78 = tpu.memref_slice %arg11[%dma_start3A_76, %dma_start3A_77] : memref<16x512xf32, #tpu.memory_space<vmem>> -> memref<1x512xf32, #tpu.memory_space<vmem>>
    %dma_start3A_79 = tpu.memref_squeeze %dma_start3A_78 : memref<1x512xf32, #tpu.memory_space<vmem>> -> memref<512xf32, #tpu.memory_space<vmem>>
    %dma_start3A_80 = arith.constant 0 : i32
    %dma_start3A_81 = tpu.memref_slice %arg4[%dma_start3A_75, %dma_start3A_80] : memref<16x1000000xf32, #tpu.memory_space<hbm>> -> memref<1x1000000xf32, #tpu.memory_space<hbm>>
    %dma_start3A_82 = tpu.memref_squeeze %dma_start3A_81 : memref<1x1000000xf32, #tpu.memory_space<hbm>> -> memref<1000000xf32, #tpu.memory_space<hbm>>
    %dma_start3A_83 = arith.constant 0 : i32
    %dma_start3A_84 = tpu.memref_slice %dma_start3A_82[%dma_start3A_83] : memref<1000000xf32, #tpu.memory_space<hbm>> -> memref<1000000xf32, #tpu.memory_space<hbm>>
    tpu.enqueue_indirect_dma source(%dma_start3A_84 : memref<1000000xf32, #tpu.memory_space<hbm>>) target(%dma_start3A_79 : memref<512xf32, #tpu.memory_space<vmem>>) offsets(%arg9 : memref<512xi32, #tpu.memory_space<vmem>>) semaphore(%arg13 : memref<!tpu.dma_semaphore, #tpu.memory_space<semaphore_mem>>)
    %dma_start3A_85 = arith.constant 3 : i32
    %dma_start3A_86 = arith.constant 3 : i32
    %dma_start3A_87 = arith.constant 0 : i32
    %dma_start3A_88 = tpu.memref_slice %arg10[%dma_start3A_86, %dma_start3A_87] : memref<16x512xf32, #tpu.memory_space<vmem>> -> memref<1x512xf32, #tpu.memory_space<vmem>>
    %dma_start3A_89 = tpu.memref_squeeze %dma_start3A_88 : memref<1x512xf32, #tpu.memory_space<vmem>> -> memref<512xf32, #tpu.memory_space<vmem>>
    %dma_start3A_90 = arith.constant 0 : i32
    %dma_start3A_91 = tpu.memref_slice %arg4[%dma_start3A_85, %dma_start3A_90] : memref<16x1000000xf32, #tpu.memory_space<hbm>> -> memref<1x1000000xf32, #tpu.memory_space<hbm>>
    %dma_start3A_92 = tpu.memref_squeeze %dma_start3A_91 : memref<1x1000000xf32, #tpu.memory_space<hbm>> -> memref<1000000xf32, #tpu.memory_space<hbm>>
    %dma_start3A_93 = arith.constant 0 : i32
    %dma_start3A_94 = tpu.memref_slice %dma_start3A_92[%dma_start3A_93] : memref<1000000xf32, #tpu.memory_space<hbm>> -> memref<1000000xf32, #tpu.memory_space<hbm>>
    tpu.enqueue_indirect_dma source(%dma_start3A_94 : memref<1000000xf32, #tpu.memory_space<hbm>>) target(%dma_start3A_89 : memref<512xf32, #tpu.memory_space<vmem>>) offsets(%arg8 : memref<512xi32, #tpu.memory_space<vmem>>) semaphore(%arg12 : memref<!tpu.dma_semaphore, #tpu.memory_space<semaphore_mem>>)
    %dma_start3A_95 = arith.constant 3 : i32
    %dma_start3A_96 = arith.constant 3 : i32
    %dma_start3A_97 = arith.constant 0 : i32
    %dma_start3A_98 = tpu.memref_slice %arg11[%dma_start3A_96, %dma_start3A_97] : memref<16x512xf32, #tpu.memory_space<vmem>> -> memref<1x512xf32, #tpu.memory_space<vmem>>
    %dma_start3A_99 = tpu.memref_squeeze %dma_start3A_98 : memref<1x512xf32, #tpu.memory_space<vmem>> -> memref<512xf32, #tpu.memory_space<vmem>>
    %dma_start3A_100 = arith.constant 0 : i32
    %dma_start3A_101 = tpu.memref_slice %arg4[%dma_start3A_95, %dma_start3A_100] : memref<16x1000000xf32, #tpu.memory_space<hbm>> -> memref<1x1000000xf32, #tpu.memory_space<hbm>>
    %dma_start3A_102 = tpu.memref_squeeze %dma_start3A_101 : memref<1x1000000xf32, #tpu.memory_space<hbm>> -> memref<1000000xf32, #tpu.memory_space<hbm>>
    %dma_start3A_103 = arith.constant 0 : i32
    %dma_start3A_104 = tpu.memref_slice %dma_start3A_102[%dma_start3A_103] : memref<1000000xf32, #tpu.memory_space<hbm>> -> memref<1000000xf32, #tpu.memory_space<hbm>>
    tpu.enqueue_indirect_dma source(%dma_start3A_104 : memref<1000000xf32, #tpu.memory_space<hbm>>) target(%dma_start3A_99 : memref<512xf32, #tpu.memory_space<vmem>>) offsets(%arg9 : memref<512xi32, #tpu.memory_space<vmem>>) semaphore(%arg13 : memref<!tpu.dma_semaphore, #tpu.memory_space<semaphore_mem>>)
    %dma_start3A_105 = arith.constant 4 : i32
    %dma_start3A_106 = arith.constant 4 : i32
    %dma_start3A_107 = arith.constant 0 : i32
    %dma_start3A_108 = tpu.memref_slice %arg10[%dma_start3A_106, %dma_start3A_107] : memref<16x512xf32, #tpu.memory_space<vmem>> -> memref<1x512xf32, #tpu.memory_space<vmem>>
    %dma_start3A_109 = tpu.memref_squeeze %dma_start3A_108 : memref<1x512xf32, #tpu.memory_space<vmem>> -> memref<512xf32, #tpu.memory_space<vmem>>
    %dma_start3A_110 = arith.constant 0 : i32
    %dma_start3A_111 = tpu.memref_slice %arg4[%dma_start3A_105, %dma_start3A_110] : memref<16x1000000xf32, #tpu.memory_space<hbm>> -> memref<1x1000000xf32, #tpu.memory_space<hbm>>
    %dma_start3A_112 = tpu.memref_squeeze %dma_start3A_111 : memref<1x1000000xf32, #tpu.memory_space<hbm>> -> memref<1000000xf32, #tpu.memory_space<hbm>>
    %dma_start3A_113 = arith.constant 0 : i32
    %dma_start3A_114 = tpu.memref_slice %dma_start3A_112[%dma_start3A_113] : memref<1000000xf32, #tpu.memory_space<hbm>> -> memref<1000000xf32, #tpu.memory_space<hbm>>
    tpu.enqueue_indirect_dma source(%dma_start3A_114 : memref<1000000xf32, #tpu.memory_space<hbm>>) target(%dma_start3A_109 : memref<512xf32, #tpu.memory_space<vmem>>) offsets(%arg8 : memref<512xi32, #tpu.memory_space<vmem>>) semaphore(%arg12 : memref<!tpu.dma_semaphore, #tpu.memory_space<semaphore_mem>>)
    %dma_start3A_115 = arith.constant 4 : i32
    %dma_start3A_116 = arith.constant 4 : i32
    %dma_start3A_117 = arith.constant 0 : i32
    %dma_start3A_118 = tpu.memref_slice %arg11[%dma_start3A_116, %dma_start3A_117] : memref<16x512xf32, #tpu.memory_space<vmem>> -> memref<1x512xf32, #tpu.memory_space<vmem>>
    %dma_start3A_119 = tpu.memref_squeeze %dma_start3A_118 : memref<1x512xf32, #tpu.memory_space<vmem>> -> memref<512xf32, #tpu.memory_space<vmem>>
    %dma_start3A_120 = arith.constant 0 : i32
    %dma_start3A_121 = tpu.memref_slice %arg4[%dma_start3A_115, %dma_start3A_120] : memref<16x1000000xf32, #tpu.memory_space<hbm>> -> memref<1x1000000xf32, #tpu.memory_space<hbm>>
    %dma_start3A_122 = tpu.memref_squeeze %dma_start3A_121 : memref<1x1000000xf32, #tpu.memory_space<hbm>> -> memref<1000000xf32, #tpu.memory_space<hbm>>
    %dma_start3A_123 = arith.constant 0 : i32
    %dma_start3A_124 = tpu.memref_slice %dma_start3A_122[%dma_start3A_123] : memref<1000000xf32, #tpu.memory_space<hbm>> -> memref<1000000xf32, #tpu.memory_space<hbm>>
    tpu.enqueue_indirect_dma source(%dma_start3A_124 : memref<1000000xf32, #tpu.memory_space<hbm>>) target(%dma_start3A_119 : memref<512xf32, #tpu.memory_space<vmem>>) offsets(%arg9 : memref<512xi32, #tpu.memory_space<vmem>>) semaphore(%arg13 : memref<!tpu.dma_semaphore, #tpu.memory_space<semaphore_mem>>)
    %dma_start3A_125 = arith.constant 5 : i32
    %dma_start3A_126 = arith.constant 5 : i32
    %dma_start3A_127 = arith.constant 0 : i32
    %dma_start3A_128 = tpu.memref_slice %arg10[%dma_start3A_126, %dma_start3A_127] : memref<16x512xf32, #tpu.memory_space<vmem>> -> memref<1x512xf32, #tpu.memory_space<vmem>>
    %dma_start3A_129 = tpu.memref_squeeze %dma_start3A_128 : memref<1x512xf32, #tpu.memory_space<vmem>> -> memref<512xf32, #tpu.memory_space<vmem>>
    %dma_start3A_130 = arith.constant 0 : i32
    %dma_start3A_131 = tpu.memref_slice %arg4[%dma_start3A_125, %dma_start3A_130] : memref<16x1000000xf32, #tpu.memory_space<hbm>> -> memref<1x1000000xf32, #tpu.memory_space<hbm>>
    %dma_start3A_132 = tpu.memref_squeeze %dma_start3A_131 : memref<1x1000000xf32, #tpu.memory_space<hbm>> -> memref<1000000xf32, #tpu.memory_space<hbm>>
    %dma_start3A_133 = arith.constant 0 : i32
    %dma_start3A_134 = tpu.memref_slice %dma_start3A_132[%dma_start3A_133] : memref<1000000xf32, #tpu.memory_space<hbm>> -> memref<1000000xf32, #tpu.memory_space<hbm>>
    tpu.enqueue_indirect_dma source(%dma_start3A_134 : memref<1000000xf32, #tpu.memory_space<hbm>>) target(%dma_start3A_129 : memref<512xf32, #tpu.memory_space<vmem>>) offsets(%arg8 : memref<512xi32, #tpu.memory_space<vmem>>) semaphore(%arg12 : memref<!tpu.dma_semaphore, #tpu.memory_space<semaphore_mem>>)
    %dma_start3A_135 = arith.constant 5 : i32
    %dma_start3A_136 = arith.constant 5 : i32
    %dma_start3A_137 = arith.constant 0 : i32
    %dma_start3A_138 = tpu.memref_slice %arg11[%dma_start3A_136, %dma_start3A_137] : memref<16x512xf32, #tpu.memory_space<vmem>> -> memref<1x512xf32, #tpu.memory_space<vmem>>
    %dma_start3A_139 = tpu.memref_squeeze %dma_start3A_138 : memref<1x512xf32, #tpu.memory_space<vmem>> -> memref<512xf32, #tpu.memory_space<vmem>>
    %dma_start3A_140 = arith.constant 0 : i32
    %dma_start3A_141 = tpu.memref_slice %arg4[%dma_start3A_135, %dma_start3A_140] : memref<16x1000000xf32, #tpu.memory_space<hbm>> -> memref<1x1000000xf32, #tpu.memory_space<hbm>>
    %dma_start3A_142 = tpu.memref_squeeze %dma_start3A_141 : memref<1x1000000xf32, #tpu.memory_space<hbm>> -> memref<1000000xf32, #tpu.memory_space<hbm>>
    %dma_start3A_143 = arith.constant 0 : i32
    %dma_start3A_144 = tpu.memref_slice %dma_start3A_142[%dma_start3A_143] : memref<1000000xf32, #tpu.memory_space<hbm>> -> memref<1000000xf32, #tpu.memory_space<hbm>>
    tpu.enqueue_indirect_dma source(%dma_start3A_144 : memref<1000000xf32, #tpu.memory_space<hbm>>) target(%dma_start3A_139 : memref<512xf32, #tpu.memory_space<vmem>>) offsets(%arg9 : memref<512xi32, #tpu.memory_space<vmem>>) semaphore(%arg13 : memref<!tpu.dma_semaphore, #tpu.memory_space<semaphore_mem>>)
    %dma_start3A_145 = arith.constant 6 : i32
    %dma_start3A_146 = arith.constant 6 : i32
    %dma_start3A_147 = arith.constant 0 : i32
    %dma_start3A_148 = tpu.memref_slice %arg10[%dma_start3A_146, %dma_start3A_147] : memref<16x512xf32, #tpu.memory_space<vmem>> -> memref<1x512xf32, #tpu.memory_space<vmem>>
    %dma_start3A_149 = tpu.memref_squeeze %dma_start3A_148 : memref<1x512xf32, #tpu.memory_space<vmem>> -> memref<512xf32, #tpu.memory_space<vmem>>
    %dma_start3A_150 = arith.constant 0 : i32
    %dma_start3A_151 = tpu.memref_slice %arg4[%dma_start3A_145, %dma_start3A_150] : memref<16x1000000xf32, #tpu.memory_space<hbm>> -> memref<1x1000000xf32, #tpu.memory_space<hbm>>
    %dma_start3A_152 = tpu.memref_squeeze %dma_start3A_151 : memref<1x1000000xf32, #tpu.memory_space<hbm>> -> memref<1000000xf32, #tpu.memory_space<hbm>>
    %dma_start3A_153 = arith.constant 0 : i32
    %dma_start3A_154 = tpu.memref_slice %dma_start3A_152[%dma_start3A_153] : memref<1000000xf32, #tpu.memory_space<hbm>> -> memref<1000000xf32, #tpu.memory_space<hbm>>
    tpu.enqueue_indirect_dma source(%dma_start3A_154 : memref<1000000xf32, #tpu.memory_space<hbm>>) target(%dma_start3A_149 : memref<512xf32, #tpu.memory_space<vmem>>) offsets(%arg8 : memref<512xi32, #tpu.memory_space<vmem>>) semaphore(%arg12 : memref<!tpu.dma_semaphore, #tpu.memory_space<semaphore_mem>>)
    %dma_start3A_155 = arith.constant 6 : i32
    %dma_start3A_156 = arith.constant 6 : i32
    %dma_start3A_157 = arith.constant 0 : i32
    %dma_start3A_158 = tpu.memref_slice %arg11[%dma_start3A_156, %dma_start3A_157] : memref<16x512xf32, #tpu.memory_space<vmem>> -> memref<1x512xf32, #tpu.memory_space<vmem>>
    %dma_start3A_159 = tpu.memref_squeeze %dma_start3A_158 : memref<1x512xf32, #tpu.memory_space<vmem>> -> memref<512xf32, #tpu.memory_space<vmem>>
    %dma_start3A_160 = arith.constant 0 : i32
    %dma_start3A_161 = tpu.memref_slice %arg4[%dma_start3A_155, %dma_start3A_160] : memref<16x1000000xf32, #tpu.memory_space<hbm>> -> memref<1x1000000xf32, #tpu.memory_space<hbm>>
    %dma_start3A_162 = tpu.memref_squeeze %dma_start3A_161 : memref<1x1000000xf32, #tpu.memory_space<hbm>> -> memref<1000000xf32, #tpu.memory_space<hbm>>
    %dma_start3A_163 = arith.constant 0 : i32
    %dma_start3A_164 = tpu.memref_slice %dma_start3A_162[%dma_start3A_163] : memref<1000000xf32, #tpu.memory_space<hbm>> -> memref<1000000xf32, #tpu.memory_space<hbm>>
    tpu.enqueue_indirect_dma source(%dma_start3A_164 : memref<1000000xf32, #tpu.memory_space<hbm>>) target(%dma_start3A_159 : memref<512xf32, #tpu.memory_space<vmem>>) offsets(%arg9 : memref<512xi32, #tpu.memory_space<vmem>>) semaphore(%arg13 : memref<!tpu.dma_semaphore, #tpu.memory_space<semaphore_mem>>)
    %dma_start3A_165 = arith.constant 7 : i32
    %dma_start3A_166 = arith.constant 7 : i32
    %dma_start3A_167 = arith.constant 0 : i32
    %dma_start3A_168 = tpu.memref_slice %arg10[%dma_start3A_166, %dma_start3A_167] : memref<16x512xf32, #tpu.memory_space<vmem>> -> memref<1x512xf32, #tpu.memory_space<vmem>>
    %dma_start3A_169 = tpu.memref_squeeze %dma_start3A_168 : memref<1x512xf32, #tpu.memory_space<vmem>> -> memref<512xf32, #tpu.memory_space<vmem>>
    %dma_start3A_170 = arith.constant 0 : i32
    %dma_start3A_171 = tpu.memref_slice %arg4[%dma_start3A_165, %dma_start3A_170] : memref<16x1000000xf32, #tpu.memory_space<hbm>> -> memref<1x1000000xf32, #tpu.memory_space<hbm>>
    %dma_start3A_172 = tpu.memref_squeeze %dma_start3A_171 : memref<1x1000000xf32, #tpu.memory_space<hbm>> -> memref<1000000xf32, #tpu.memory_space<hbm>>
    %dma_start3A_173 = arith.constant 0 : i32
    %dma_start3A_174 = tpu.memref_slice %dma_start3A_172[%dma_start3A_173] : memref<1000000xf32, #tpu.memory_space<hbm>> -> memref<1000000xf32, #tpu.memory_space<hbm>>
    tpu.enqueue_indirect_dma source(%dma_start3A_174 : memref<1000000xf32, #tpu.memory_space<hbm>>) target(%dma_start3A_169 : memref<512xf32, #tpu.memory_space<vmem>>) offsets(%arg8 : memref<512xi32, #tpu.memory_space<vmem>>) semaphore(%arg12 : memref<!tpu.dma_semaphore, #tpu.memory_space<semaphore_mem>>)
    %dma_start3A_175 = arith.constant 7 : i32
    %dma_start3A_176 = arith.constant 7 : i32
    %dma_start3A_177 = arith.constant 0 : i32
    %dma_start3A_178 = tpu.memref_slice %arg11[%dma_start3A_176, %dma_start3A_177] : memref<16x512xf32, #tpu.memory_space<vmem>> -> memref<1x512xf32, #tpu.memory_space<vmem>>
    %dma_start3A_179 = tpu.memref_squeeze %dma_start3A_178 : memref<1x512xf32, #tpu.memory_space<vmem>> -> memref<512xf32, #tpu.memory_space<vmem>>
    %dma_start3A_180 = arith.constant 0 : i32
    %dma_start3A_181 = tpu.memref_slice %arg4[%dma_start3A_175, %dma_start3A_180] : memref<16x1000000xf32, #tpu.memory_space<hbm>> -> memref<1x1000000xf32, #tpu.memory_space<hbm>>
    %dma_start3A_182 = tpu.memref_squeeze %dma_start3A_181 : memref<1x1000000xf32, #tpu.memory_space<hbm>> -> memref<1000000xf32, #tpu.memory_space<hbm>>
    %dma_start3A_183 = arith.constant 0 : i32
    %dma_start3A_184 = tpu.memref_slice %dma_start3A_182[%dma_start3A_183] : memref<1000000xf32, #tpu.memory_space<hbm>> -> memref<1000000xf32, #tpu.memory_space<hbm>>
    tpu.enqueue_indirect_dma source(%dma_start3A_184 : memref<1000000xf32, #tpu.memory_space<hbm>>) target(%dma_start3A_179 : memref<512xf32, #tpu.memory_space<vmem>>) offsets(%arg9 : memref<512xi32, #tpu.memory_space<vmem>>) semaphore(%arg13 : memref<!tpu.dma_semaphore, #tpu.memory_space<semaphore_mem>>)
    %dma_start3A_185 = arith.constant 8 : i32
    %dma_start3A_186 = arith.constant 8 : i32
    %dma_start3A_187 = arith.constant 0 : i32
    %dma_start3A_188 = tpu.memref_slice %arg10[%dma_start3A_186, %dma_start3A_187] : memref<16x512xf32, #tpu.memory_space<vmem>> -> memref<1x512xf32, #tpu.memory_space<vmem>>
    %dma_start3A_189 = tpu.memref_squeeze %dma_start3A_188 : memref<1x512xf32, #tpu.memory_space<vmem>> -> memref<512xf32, #tpu.memory_space<vmem>>
    %dma_start3A_190 = arith.constant 0 : i32
    %dma_start3A_191 = tpu.memref_slice %arg4[%dma_start3A_185, %dma_start3A_190] : memref<16x1000000xf32, #tpu.memory_space<hbm>> -> memref<1x1000000xf32, #tpu.memory_space<hbm>>
    %dma_start3A_192 = tpu.memref_squeeze %dma_start3A_191 : memref<1x1000000xf32, #tpu.memory_space<hbm>> -> memref<1000000xf32, #tpu.memory_space<hbm>>
    %dma_start3A_193 = arith.constant 0 : i32
    %dma_start3A_194 = tpu.memref_slice %dma_start3A_192[%dma_start3A_193] : memref<1000000xf32, #tpu.memory_space<hbm>> -> memref<1000000xf32, #tpu.memory_space<hbm>>
    tpu.enqueue_indirect_dma source(%dma_start3A_194 : memref<1000000xf32, #tpu.memory_space<hbm>>) target(%dma_start3A_189 : memref<512xf32, #tpu.memory_space<vmem>>) offsets(%arg8 : memref<512xi32, #tpu.memory_space<vmem>>) semaphore(%arg12 : memref<!tpu.dma_semaphore, #tpu.memory_space<semaphore_mem>>)
    %dma_start3A_195 = arith.constant 8 : i32
    %dma_start3A_196 = arith.constant 8 : i32
    %dma_start3A_197 = arith.constant 0 : i32
    %dma_start3A_198 = tpu.memref_slice %arg11[%dma_start3A_196, %dma_start3A_197] : memref<16x512xf32, #tpu.memory_space<vmem>> -> memref<1x512xf32, #tpu.memory_space<vmem>>
    %dma_start3A_199 = tpu.memref_squeeze %dma_start3A_198 : memref<1x512xf32, #tpu.memory_space<vmem>> -> memref<512xf32, #tpu.memory_space<vmem>>
    %dma_start3A_200 = arith.constant 0 : i32
    %dma_start3A_201 = tpu.memref_slice %arg4[%dma_start3A_195, %dma_start3A_200] : memref<16x1000000xf32, #tpu.memory_space<hbm>> -> memref<1x1000000xf32, #tpu.memory_space<hbm>>
    %dma_start3A_202 = tpu.memref_squeeze %dma_start3A_201 : memref<1x1000000xf32, #tpu.memory_space<hbm>> -> memref<1000000xf32, #tpu.memory_space<hbm>>
    %dma_start3A_203 = arith.constant 0 : i32
    %dma_start3A_204 = tpu.memref_slice %dma_start3A_202[%dma_start3A_203] : memref<1000000xf32, #tpu.memory_space<hbm>> -> memref<1000000xf32, #tpu.memory_space<hbm>>
    tpu.enqueue_indirect_dma source(%dma_start3A_204 : memref<1000000xf32, #tpu.memory_space<hbm>>) target(%dma_start3A_199 : memref<512xf32, #tpu.memory_space<vmem>>) offsets(%arg9 : memref<512xi32, #tpu.memory_space<vmem>>) semaphore(%arg13 : memref<!tpu.dma_semaphore, #tpu.memory_space<semaphore_mem>>)
    %dma_start3A_205 = arith.constant 9 : i32
    %dma_start3A_206 = arith.constant 9 : i32
    %dma_start3A_207 = arith.constant 0 : i32
    %dma_start3A_208 = tpu.memref_slice %arg10[%dma_start3A_206, %dma_start3A_207] : memref<16x512xf32, #tpu.memory_space<vmem>> -> memref<1x512xf32, #tpu.memory_space<vmem>>
    %dma_start3A_209 = tpu.memref_squeeze %dma_start3A_208 : memref<1x512xf32, #tpu.memory_space<vmem>> -> memref<512xf32, #tpu.memory_space<vmem>>
    %dma_start3A_210 = arith.constant 0 : i32
    %dma_start3A_211 = tpu.memref_slice %arg4[%dma_start3A_205, %dma_start3A_210] : memref<16x1000000xf32, #tpu.memory_space<hbm>> -> memref<1x1000000xf32, #tpu.memory_space<hbm>>
    %dma_start3A_212 = tpu.memref_squeeze %dma_start3A_211 : memref<1x1000000xf32, #tpu.memory_space<hbm>> -> memref<1000000xf32, #tpu.memory_space<hbm>>
    %dma_start3A_213 = arith.constant 0 : i32
    %dma_start3A_214 = tpu.memref_slice %dma_start3A_212[%dma_start3A_213] : memref<1000000xf32, #tpu.memory_space<hbm>> -> memref<1000000xf32, #tpu.memory_space<hbm>>
    tpu.enqueue_indirect_dma source(%dma_start3A_214 : memref<1000000xf32, #tpu.memory_space<hbm>>) target(%dma_start3A_209 : memref<512xf32, #tpu.memory_space<vmem>>) offsets(%arg8 : memref<512xi32, #tpu.memory_space<vmem>>) semaphore(%arg12 : memref<!tpu.dma_semaphore, #tpu.memory_space<semaphore_mem>>)
    %dma_start3A_215 = arith.constant 9 : i32
    %dma_start3A_216 = arith.constant 9 : i32
    %dma_start3A_217 = arith.constant 0 : i32
    %dma_start3A_218 = tpu.memref_slice %arg11[%dma_start3A_216, %dma_start3A_217] : memref<16x512xf32, #tpu.memory_space<vmem>> -> memref<1x512xf32, #tpu.memory_space<vmem>>
    %dma_start3A_219 = tpu.memref_squeeze %dma_start3A_218 : memref<1x512xf32, #tpu.memory_space<vmem>> -> memref<512xf32, #tpu.memory_space<vmem>>
    %dma_start3A_220 = arith.constant 0 : i32
    %dma_start3A_221 = tpu.memref_slice %arg4[%dma_start3A_215, %dma_start3A_220] : memref<16x1000000xf32, #tpu.memory_space<hbm>> -> memref<1x1000000xf32, #tpu.memory_space<hbm>>
    %dma_start3A_222 = tpu.memref_squeeze %dma_start3A_221 : memref<1x1000000xf32, #tpu.memory_space<hbm>> -> memref<1000000xf32, #tpu.memory_space<hbm>>
    %dma_start3A_223 = arith.constant 0 : i32
    %dma_start3A_224 = tpu.memref_slice %dma_start3A_222[%dma_start3A_223] : memref<1000000xf32, #tpu.memory_space<hbm>> -> memref<1000000xf32, #tpu.memory_space<hbm>>
    tpu.enqueue_indirect_dma source(%dma_start3A_224 : memref<1000000xf32, #tpu.memory_space<hbm>>) target(%dma_start3A_219 : memref<512xf32, #tpu.memory_space<vmem>>) offsets(%arg9 : memref<512xi32, #tpu.memory_space<vmem>>) semaphore(%arg13 : memref<!tpu.dma_semaphore, #tpu.memory_space<semaphore_mem>>)
    %dma_start3A_225 = arith.constant 10 : i32
    %dma_start3A_226 = arith.constant 10 : i32
    %dma_start3A_227 = arith.constant 0 : i32
    %dma_start3A_228 = tpu.memref_slice %arg10[%dma_start3A_226, %dma_start3A_227] : memref<16x512xf32, #tpu.memory_space<vmem>> -> memref<1x512xf32, #tpu.memory_space<vmem>>
    %dma_start3A_229 = tpu.memref_squeeze %dma_start3A_228 : memref<1x512xf32, #tpu.memory_space<vmem>> -> memref<512xf32, #tpu.memory_space<vmem>>
    %dma_start3A_230 = arith.constant 0 : i32
    %dma_start3A_231 = tpu.memref_slice %arg4[%dma_start3A_225, %dma_start3A_230] : memref<16x1000000xf32, #tpu.memory_space<hbm>> -> memref<1x1000000xf32, #tpu.memory_space<hbm>>
    %dma_start3A_232 = tpu.memref_squeeze %dma_start3A_231 : memref<1x1000000xf32, #tpu.memory_space<hbm>> -> memref<1000000xf32, #tpu.memory_space<hbm>>
    %dma_start3A_233 = arith.constant 0 : i32
    %dma_start3A_234 = tpu.memref_slice %dma_start3A_232[%dma_start3A_233] : memref<1000000xf32, #tpu.memory_space<hbm>> -> memref<1000000xf32, #tpu.memory_space<hbm>>
    tpu.enqueue_indirect_dma source(%dma_start3A_234 : memref<1000000xf32, #tpu.memory_space<hbm>>) target(%dma_start3A_229 : memref<512xf32, #tpu.memory_space<vmem>>) offsets(%arg8 : memref<512xi32, #tpu.memory_space<vmem>>) semaphore(%arg12 : memref<!tpu.dma_semaphore, #tpu.memory_space<semaphore_mem>>)
    %dma_start3A_235 = arith.constant 10 : i32
    %dma_start3A_236 = arith.constant 10 : i32
    %dma_start3A_237 = arith.constant 0 : i32
    %dma_start3A_238 = tpu.memref_slice %arg11[%dma_start3A_236, %dma_start3A_237] : memref<16x512xf32, #tpu.memory_space<vmem>> -> memref<1x512xf32, #tpu.memory_space<vmem>>
    %dma_start3A_239 = tpu.memref_squeeze %dma_start3A_238 : memref<1x512xf32, #tpu.memory_space<vmem>> -> memref<512xf32, #tpu.memory_space<vmem>>
    %dma_start3A_240 = arith.constant 0 : i32
    %dma_start3A_241 = tpu.memref_slice %arg4[%dma_start3A_235, %dma_start3A_240] : memref<16x1000000xf32, #tpu.memory_space<hbm>> -> memref<1x1000000xf32, #tpu.memory_space<hbm>>
    %dma_start3A_242 = tpu.memref_squeeze %dma_start3A_241 : memref<1x1000000xf32, #tpu.memory_space<hbm>> -> memref<1000000xf32, #tpu.memory_space<hbm>>
    %dma_start3A_243 = arith.constant 0 : i32
    %dma_start3A_244 = tpu.memref_slice %dma_start3A_242[%dma_start3A_243] : memref<1000000xf32, #tpu.memory_space<hbm>> -> memref<1000000xf32, #tpu.memory_space<hbm>>
    tpu.enqueue_indirect_dma source(%dma_start3A_244 : memref<1000000xf32, #tpu.memory_space<hbm>>) target(%dma_start3A_239 : memref<512xf32, #tpu.memory_space<vmem>>) offsets(%arg9 : memref<512xi32, #tpu.memory_space<vmem>>) semaphore(%arg13 : memref<!tpu.dma_semaphore, #tpu.memory_space<semaphore_mem>>)
    %dma_start3A_245 = arith.constant 11 : i32
    %dma_start3A_246 = arith.constant 11 : i32
    %dma_start3A_247 = arith.constant 0 : i32
    %dma_start3A_248 = tpu.memref_slice %arg10[%dma_start3A_246, %dma_start3A_247] : memref<16x512xf32, #tpu.memory_space<vmem>> -> memref<1x512xf32, #tpu.memory_space<vmem>>
    %dma_start3A_249 = tpu.memref_squeeze %dma_start3A_248 : memref<1x512xf32, #tpu.memory_space<vmem>> -> memref<512xf32, #tpu.memory_space<vmem>>
    %dma_start3A_250 = arith.constant 0 : i32
    %dma_start3A_251 = tpu.memref_slice %arg4[%dma_start3A_245, %dma_start3A_250] : memref<16x1000000xf32, #tpu.memory_space<hbm>> -> memref<1x1000000xf32, #tpu.memory_space<hbm>>
    %dma_start3A_252 = tpu.memref_squeeze %dma_start3A_251 : memref<1x1000000xf32, #tpu.memory_space<hbm>> -> memref<1000000xf32, #tpu.memory_space<hbm>>
    %dma_start3A_253 = arith.constant 0 : i32
    %dma_start3A_254 = tpu.memref_slice %dma_start3A_252[%dma_start3A_253] : memref<1000000xf32, #tpu.memory_space<hbm>> -> memref<1000000xf32, #tpu.memory_space<hbm>>
    tpu.enqueue_indirect_dma source(%dma_start3A_254 : memref<1000000xf32, #tpu.memory_space<hbm>>) target(%dma_start3A_249 : memref<512xf32, #tpu.memory_space<vmem>>) offsets(%arg8 : memref<512xi32, #tpu.memory_space<vmem>>) semaphore(%arg12 : memref<!tpu.dma_semaphore, #tpu.memory_space<semaphore_mem>>)
    %dma_start3A_255 = arith.constant 11 : i32
    %dma_start3A_256 = arith.constant 11 : i32
    %dma_start3A_257 = arith.constant 0 : i32
    %dma_start3A_258 = tpu.memref_slice %arg11[%dma_start3A_256, %dma_start3A_257] : memref<16x512xf32, #tpu.memory_space<vmem>> -> memref<1x512xf32, #tpu.memory_space<vmem>>
    %dma_start3A_259 = tpu.memref_squeeze %dma_start3A_258 : memref<1x512xf32, #tpu.memory_space<vmem>> -> memref<512xf32, #tpu.memory_space<vmem>>
    %dma_start3A_260 = arith.constant 0 : i32
    %dma_start3A_261 = tpu.memref_slice %arg4[%dma_start3A_255, %dma_start3A_260] : memref<16x1000000xf32, #tpu.memory_space<hbm>> -> memref<1x1000000xf32, #tpu.memory_space<hbm>>
    %dma_start3A_262 = tpu.memref_squeeze %dma_start3A_261 : memref<1x1000000xf32, #tpu.memory_space<hbm>> -> memref<1000000xf32, #tpu.memory_space<hbm>>
    %dma_start3A_263 = arith.constant 0 : i32
    %dma_start3A_264 = tpu.memref_slice %dma_start3A_262[%dma_start3A_263] : memref<1000000xf32, #tpu.memory_space<hbm>> -> memref<1000000xf32, #tpu.memory_space<hbm>>
    tpu.enqueue_indirect_dma source(%dma_start3A_264 : memref<1000000xf32, #tpu.memory_space<hbm>>) target(%dma_start3A_259 : memref<512xf32, #tpu.memory_space<vmem>>) offsets(%arg9 : memref<512xi32, #tpu.memory_space<vmem>>) semaphore(%arg13 : memref<!tpu.dma_semaphore, #tpu.memory_space<semaphore_mem>>)
    %dma_start3A_265 = arith.constant 12 : i32
    %dma_start3A_266 = arith.constant 12 : i32
    %dma_start3A_267 = arith.constant 0 : i32
    %dma_start3A_268 = tpu.memref_slice %arg10[%dma_start3A_266, %dma_start3A_267] : memref<16x512xf32, #tpu.memory_space<vmem>> -> memref<1x512xf32, #tpu.memory_space<vmem>>
    %dma_start3A_269 = tpu.memref_squeeze %dma_start3A_268 : memref<1x512xf32, #tpu.memory_space<vmem>> -> memref<512xf32, #tpu.memory_space<vmem>>
    %dma_start3A_270 = arith.constant 0 : i32
    %dma_start3A_271 = tpu.memref_slice %arg4[%dma_start3A_265, %dma_start3A_270] : memref<16x1000000xf32, #tpu.memory_space<hbm>> -> memref<1x1000000xf32, #tpu.memory_space<hbm>>
    %dma_start3A_272 = tpu.memref_squeeze %dma_start3A_271 : memref<1x1000000xf32, #tpu.memory_space<hbm>> -> memref<1000000xf32, #tpu.memory_space<hbm>>
    %dma_start3A_273 = arith.constant 0 : i32
    %dma_start3A_274 = tpu.memref_slice %dma_start3A_272[%dma_start3A_273] : memref<1000000xf32, #tpu.memory_space<hbm>> -> memref<1000000xf32, #tpu.memory_space<hbm>>
    tpu.enqueue_indirect_dma source(%dma_start3A_274 : memref<1000000xf32, #tpu.memory_space<hbm>>) target(%dma_start3A_269 : memref<512xf32, #tpu.memory_space<vmem>>) offsets(%arg8 : memref<512xi32, #tpu.memory_space<vmem>>) semaphore(%arg12 : memref<!tpu.dma_semaphore, #tpu.memory_space<semaphore_mem>>)
    %dma_start3A_275 = arith.constant 12 : i32
    %dma_start3A_276 = arith.constant 12 : i32
    %dma_start3A_277 = arith.constant 0 : i32
    %dma_start3A_278 = tpu.memref_slice %arg11[%dma_start3A_276, %dma_start3A_277] : memref<16x512xf32, #tpu.memory_space<vmem>> -> memref<1x512xf32, #tpu.memory_space<vmem>>
    %dma_start3A_279 = tpu.memref_squeeze %dma_start3A_278 : memref<1x512xf32, #tpu.memory_space<vmem>> -> memref<512xf32, #tpu.memory_space<vmem>>
    %dma_start3A_280 = arith.constant 0 : i32
    %dma_start3A_281 = tpu.memref_slice %arg4[%dma_start3A_275, %dma_start3A_280] : memref<16x1000000xf32, #tpu.memory_space<hbm>> -> memref<1x1000000xf32, #tpu.memory_space<hbm>>
    %dma_start3A_282 = tpu.memref_squeeze %dma_start3A_281 : memref<1x1000000xf32, #tpu.memory_space<hbm>> -> memref<1000000xf32, #tpu.memory_space<hbm>>
    %dma_start3A_283 = arith.constant 0 : i32
    %dma_start3A_284 = tpu.memref_slice %dma_start3A_282[%dma_start3A_283] : memref<1000000xf32, #tpu.memory_space<hbm>> -> memref<1000000xf32, #tpu.memory_space<hbm>>
    tpu.enqueue_indirect_dma source(%dma_start3A_284 : memref<1000000xf32, #tpu.memory_space<hbm>>) target(%dma_start3A_279 : memref<512xf32, #tpu.memory_space<vmem>>) offsets(%arg9 : memref<512xi32, #tpu.memory_space<vmem>>) semaphore(%arg13 : memref<!tpu.dma_semaphore, #tpu.memory_space<semaphore_mem>>)
    %dma_start3A_285 = arith.constant 13 : i32
    %dma_start3A_286 = arith.constant 13 : i32
    %dma_start3A_287 = arith.constant 0 : i32
    %dma_start3A_288 = tpu.memref_slice %arg10[%dma_start3A_286, %dma_start3A_287] : memref<16x512xf32, #tpu.memory_space<vmem>> -> memref<1x512xf32, #tpu.memory_space<vmem>>
    %dma_start3A_289 = tpu.memref_squeeze %dma_start3A_288 : memref<1x512xf32, #tpu.memory_space<vmem>> -> memref<512xf32, #tpu.memory_space<vmem>>
    %dma_start3A_290 = arith.constant 0 : i32
    %dma_start3A_291 = tpu.memref_slice %arg4[%dma_start3A_285, %dma_start3A_290] : memref<16x1000000xf32, #tpu.memory_space<hbm>> -> memref<1x1000000xf32, #tpu.memory_space<hbm>>
    %dma_start3A_292 = tpu.memref_squeeze %dma_start3A_291 : memref<1x1000000xf32, #tpu.memory_space<hbm>> -> memref<1000000xf32, #tpu.memory_space<hbm>>
    %dma_start3A_293 = arith.constant 0 : i32
    %dma_start3A_294 = tpu.memref_slice %dma_start3A_292[%dma_start3A_293] : memref<1000000xf32, #tpu.memory_space<hbm>> -> memref<1000000xf32, #tpu.memory_space<hbm>>
    tpu.enqueue_indirect_dma source(%dma_start3A_294 : memref<1000000xf32, #tpu.memory_space<hbm>>) target(%dma_start3A_289 : memref<512xf32, #tpu.memory_space<vmem>>) offsets(%arg8 : memref<512xi32, #tpu.memory_space<vmem>>) semaphore(%arg12 : memref<!tpu.dma_semaphore, #tpu.memory_space<semaphore_mem>>)
    %dma_start3A_295 = arith.constant 13 : i32
    %dma_start3A_296 = arith.constant 13 : i32
    %dma_start3A_297 = arith.constant 0 : i32
    %dma_start3A_298 = tpu.memref_slice %arg11[%dma_start3A_296, %dma_start3A_297] : memref<16x512xf32, #tpu.memory_space<vmem>> -> memref<1x512xf32, #tpu.memory_space<vmem>>
    %dma_start3A_299 = tpu.memref_squeeze %dma_start3A_298 : memref<1x512xf32, #tpu.memory_space<vmem>> -> memref<512xf32, #tpu.memory_space<vmem>>
    %dma_start3A_300 = arith.constant 0 : i32
    %dma_start3A_301 = tpu.memref_slice %arg4[%dma_start3A_295, %dma_start3A_300] : memref<16x1000000xf32, #tpu.memory_space<hbm>> -> memref<1x1000000xf32, #tpu.memory_space<hbm>>
    %dma_start3A_302 = tpu.memref_squeeze %dma_start3A_301 : memref<1x1000000xf32, #tpu.memory_space<hbm>> -> memref<1000000xf32, #tpu.memory_space<hbm>>
    %dma_start3A_303 = arith.constant 0 : i32
    %dma_start3A_304 = tpu.memref_slice %dma_start3A_302[%dma_start3A_303] : memref<1000000xf32, #tpu.memory_space<hbm>> -> memref<1000000xf32, #tpu.memory_space<hbm>>
    tpu.enqueue_indirect_dma source(%dma_start3A_304 : memref<1000000xf32, #tpu.memory_space<hbm>>) target(%dma_start3A_299 : memref<512xf32, #tpu.memory_space<vmem>>) offsets(%arg9 : memref<512xi32, #tpu.memory_space<vmem>>) semaphore(%arg13 : memref<!tpu.dma_semaphore, #tpu.memory_space<semaphore_mem>>)
    %dma_start3A_305 = arith.constant 14 : i32
    %dma_start3A_306 = arith.constant 14 : i32
    %dma_start3A_307 = arith.constant 0 : i32
    %dma_start3A_308 = tpu.memref_slice %arg10[%dma_start3A_306, %dma_start3A_307] : memref<16x512xf32, #tpu.memory_space<vmem>> -> memref<1x512xf32, #tpu.memory_space<vmem>>
    %dma_start3A_309 = tpu.memref_squeeze %dma_start3A_308 : memref<1x512xf32, #tpu.memory_space<vmem>> -> memref<512xf32, #tpu.memory_space<vmem>>
    %dma_start3A_310 = arith.constant 0 : i32
    %dma_start3A_311 = tpu.memref_slice %arg4[%dma_start3A_305, %dma_start3A_310] : memref<16x1000000xf32, #tpu.memory_space<hbm>> -> memref<1x1000000xf32, #tpu.memory_space<hbm>>
    %dma_start3A_312 = tpu.memref_squeeze %dma_start3A_311 : memref<1x1000000xf32, #tpu.memory_space<hbm>> -> memref<1000000xf32, #tpu.memory_space<hbm>>
    %dma_start3A_313 = arith.constant 0 : i32
    %dma_start3A_314 = tpu.memref_slice %dma_start3A_312[%dma_start3A_313] : memref<1000000xf32, #tpu.memory_space<hbm>> -> memref<1000000xf32, #tpu.memory_space<hbm>>
    tpu.enqueue_indirect_dma source(%dma_start3A_314 : memref<1000000xf32, #tpu.memory_space<hbm>>) target(%dma_start3A_309 : memref<512xf32, #tpu.memory_space<vmem>>) offsets(%arg8 : memref<512xi32, #tpu.memory_space<vmem>>) semaphore(%arg12 : memref<!tpu.dma_semaphore, #tpu.memory_space<semaphore_mem>>)
    %dma_start3A_315 = arith.constant 14 : i32
    %dma_start3A_316 = arith.constant 14 : i32
    %dma_start3A_317 = arith.constant 0 : i32
    %dma_start3A_318 = tpu.memref_slice %arg11[%dma_start3A_316, %dma_start3A_317] : memref<16x512xf32, #tpu.memory_space<vmem>> -> memref<1x512xf32, #tpu.memory_space<vmem>>
    %dma_start3A_319 = tpu.memref_squeeze %dma_start3A_318 : memref<1x512xf32, #tpu.memory_space<vmem>> -> memref<512xf32, #tpu.memory_space<vmem>>
    %dma_start3A_320 = arith.constant 0 : i32
    %dma_start3A_321 = tpu.memref_slice %arg4[%dma_start3A_315, %dma_start3A_320] : memref<16x1000000xf32, #tpu.memory_space<hbm>> -> memref<1x1000000xf32, #tpu.memory_space<hbm>>
    %dma_start3A_322 = tpu.memref_squeeze %dma_start3A_321 : memref<1x1000000xf32, #tpu.memory_space<hbm>> -> memref<1000000xf32, #tpu.memory_space<hbm>>
    %dma_start3A_323 = arith.constant 0 : i32
    %dma_start3A_324 = tpu.memref_slice %dma_start3A_322[%dma_start3A_323] : memref<1000000xf32, #tpu.memory_space<hbm>> -> memref<1000000xf32, #tpu.memory_space<hbm>>
    tpu.enqueue_indirect_dma source(%dma_start3A_324 : memref<1000000xf32, #tpu.memory_space<hbm>>) target(%dma_start3A_319 : memref<512xf32, #tpu.memory_space<vmem>>) offsets(%arg9 : memref<512xi32, #tpu.memory_space<vmem>>) semaphore(%arg13 : memref<!tpu.dma_semaphore, #tpu.memory_space<semaphore_mem>>)
    %dma_start3A_325 = arith.constant 15 : i32
    %dma_start3A_326 = arith.constant 15 : i32
    %dma_start3A_327 = arith.constant 0 : i32
    %dma_start3A_328 = tpu.memref_slice %arg10[%dma_start3A_326, %dma_start3A_327] : memref<16x512xf32, #tpu.memory_space<vmem>> -> memref<1x512xf32, #tpu.memory_space<vmem>>
    %dma_start3A_329 = tpu.memref_squeeze %dma_start3A_328 : memref<1x512xf32, #tpu.memory_space<vmem>> -> memref<512xf32, #tpu.memory_space<vmem>>
    %dma_start3A_330 = arith.constant 0 : i32
    %dma_start3A_331 = tpu.memref_slice %arg4[%dma_start3A_325, %dma_start3A_330] : memref<16x1000000xf32, #tpu.memory_space<hbm>> -> memref<1x1000000xf32, #tpu.memory_space<hbm>>
    %dma_start3A_332 = tpu.memref_squeeze %dma_start3A_331 : memref<1x1000000xf32, #tpu.memory_space<hbm>> -> memref<1000000xf32, #tpu.memory_space<hbm>>
    %dma_start3A_333 = arith.constant 0 : i32
    %dma_start3A_334 = tpu.memref_slice %dma_start3A_332[%dma_start3A_333] : memref<1000000xf32, #tpu.memory_space<hbm>> -> memref<1000000xf32, #tpu.memory_space<hbm>>
    tpu.enqueue_indirect_dma source(%dma_start3A_334 : memref<1000000xf32, #tpu.memory_space<hbm>>) target(%dma_start3A_329 : memref<512xf32, #tpu.memory_space<vmem>>) offsets(%arg8 : memref<512xi32, #tpu.memory_space<vmem>>) semaphore(%arg12 : memref<!tpu.dma_semaphore, #tpu.memory_space<semaphore_mem>>)
    %dma_start3A_335 = arith.constant 15 : i32
    %dma_start3A_336 = arith.constant 15 : i32
    %dma_start3A_337 = arith.constant 0 : i32
    %dma_start3A_338 = tpu.memref_slice %arg11[%dma_start3A_336, %dma_start3A_337] : memref<16x512xf32, #tpu.memory_space<vmem>> -> memref<1x512xf32, #tpu.memory_space<vmem>>
    %dma_start3A_339 = tpu.memref_squeeze %dma_start3A_338 : memref<1x512xf32, #tpu.memory_space<vmem>> -> memref<512xf32, #tpu.memory_space<vmem>>
    %dma_start3A_340 = arith.constant 0 : i32
    %dma_start3A_341 = tpu.memref_slice %arg4[%dma_start3A_335, %dma_start3A_340] : memref<16x1000000xf32, #tpu.memory_space<hbm>> -> memref<1x1000000xf32, #tpu.memory_space<hbm>>
    %dma_start3A_342 = tpu.memref_squeeze %dma_start3A_341 : memref<1x1000000xf32, #tpu.memory_space<hbm>> -> memref<1000000xf32, #tpu.memory_space<hbm>>
    %dma_start3A_343 = arith.constant 0 : i32
    %dma_start3A_344 = tpu.memref_slice %dma_start3A_342[%dma_start3A_343] : memref<1000000xf32, #tpu.memory_space<hbm>> -> memref<1000000xf32, #tpu.memory_space<hbm>>
    tpu.enqueue_indirect_dma source(%dma_start3A_344 : memref<1000000xf32, #tpu.memory_space<hbm>>) target(%dma_start3A_339 : memref<512xf32, #tpu.memory_space<vmem>>) offsets(%arg9 : memref<512xi32, #tpu.memory_space<vmem>>) semaphore(%arg13 : memref<!tpu.dma_semaphore, #tpu.memory_space<semaphore_mem>>)
    %dma_wait3A_345 = arith.constant 0 : i32
    %dma_wait3A_346 = arith.constant 0 : i32
    %dma_wait3A_347 = arith.constant 0 : i32
    %dma_wait3A_348 = tpu.memref_slice %arg10[%dma_wait3A_346, %dma_wait3A_347] : memref<16x512xf32, #tpu.memory_space<vmem>> -> memref<1x512xf32, #tpu.memory_space<vmem>>
    %dma_wait3A_349 = tpu.memref_squeeze %dma_wait3A_348 : memref<1x512xf32, #tpu.memory_space<vmem>> -> memref<512xf32, #tpu.memory_space<vmem>>
    %dma_wait3A_350 = arith.constant 0 : i32
    %dma_wait3A_351 = tpu.memref_slice %arg4[%dma_wait3A_345, %dma_wait3A_350] : memref<16x1000000xf32, #tpu.memory_space<hbm>> -> memref<1x1000000xf32, #tpu.memory_space<hbm>>
    %dma_wait3A_352 = tpu.memref_squeeze %dma_wait3A_351 : memref<1x1000000xf32, #tpu.memory_space<hbm>> -> memref<1000000xf32, #tpu.memory_space<hbm>>
    %dma_wait3A_353 = arith.constant 0 : i32
    %dma_wait3A_354 = tpu.memref_slice %dma_wait3A_352[%dma_wait3A_353] : memref<1000000xf32, #tpu.memory_space<hbm>> -> memref<1000000xf32, #tpu.memory_space<hbm>>
    tpu.wait_indirect_dma semaphore(%arg12 : memref<!tpu.dma_semaphore, #tpu.memory_space<semaphore_mem>>) src(%dma_wait3A_354 : memref<1000000xf32, #tpu.memory_space<hbm>>) dst(%dma_wait3A_349 : memref<512xf32, #tpu.memory_space<vmem>>)
    %dma_wait3A_355 = arith.constant 0 : i32
    %dma_wait3A_356 = arith.constant 0 : i32
    %dma_wait3A_357 = arith.constant 0 : i32
    %dma_wait3A_358 = tpu.memref_slice %arg11[%dma_wait3A_356, %dma_wait3A_357] : memref<16x512xf32, #tpu.memory_space<vmem>> -> memref<1x512xf32, #tpu.memory_space<vmem>>
    %dma_wait3A_359 = tpu.memref_squeeze %dma_wait3A_358 : memref<1x512xf32, #tpu.memory_space<vmem>> -> memref<512xf32, #tpu.memory_space<vmem>>
    %dma_wait3A_360 = arith.constant 0 : i32
    %dma_wait3A_361 = tpu.memref_slice %arg4[%dma_wait3A_355, %dma_wait3A_360] : memref<16x1000000xf32, #tpu.memory_space<hbm>> -> memref<1x1000000xf32, #tpu.memory_space<hbm>>
    %dma_wait3A_362 = tpu.memref_squeeze %dma_wait3A_361 : memref<1x1000000xf32, #tpu.memory_space<hbm>> -> memref<1000000xf32, #tpu.memory_space<hbm>>
    %dma_wait3A_363 = arith.constant 0 : i32
    %dma_wait3A_364 = tpu.memref_slice %dma_wait3A_362[%dma_wait3A_363] : memref<1000000xf32, #tpu.memory_space<hbm>> -> memref<1000000xf32, #tpu.memory_space<hbm>>
    tpu.wait_indirect_dma semaphore(%arg13 : memref<!tpu.dma_semaphore, #tpu.memory_space<semaphore_mem>>) src(%dma_wait3A_364 : memref<1000000xf32, #tpu.memory_space<hbm>>) dst(%dma_wait3A_359 : memref<512xf32, #tpu.memory_space<vmem>>)
    %dma_wait3A_365 = arith.constant 1 : i32
    %dma_wait3A_366 = arith.constant 1 : i32
    %dma_wait3A_367 = arith.constant 0 : i32
    %dma_wait3A_368 = tpu.memref_slice %arg10[%dma_wait3A_366, %dma_wait3A_367] : memref<16x512xf32, #tpu.memory_space<vmem>> -> memref<1x512xf32, #tpu.memory_space<vmem>>
    %dma_wait3A_369 = tpu.memref_squeeze %dma_wait3A_368 : memref<1x512xf32, #tpu.memory_space<vmem>> -> memref<512xf32, #tpu.memory_space<vmem>>
    %dma_wait3A_370 = arith.constant 0 : i32
    %dma_wait3A_371 = tpu.memref_slice %arg4[%dma_wait3A_365, %dma_wait3A_370] : memref<16x1000000xf32, #tpu.memory_space<hbm>> -> memref<1x1000000xf32, #tpu.memory_space<hbm>>
    %dma_wait3A_372 = tpu.memref_squeeze %dma_wait3A_371 : memref<1x1000000xf32, #tpu.memory_space<hbm>> -> memref<1000000xf32, #tpu.memory_space<hbm>>
    %dma_wait3A_373 = arith.constant 0 : i32
    %dma_wait3A_374 = tpu.memref_slice %dma_wait3A_372[%dma_wait3A_373] : memref<1000000xf32, #tpu.memory_space<hbm>> -> memref<1000000xf32, #tpu.memory_space<hbm>>
    tpu.wait_indirect_dma semaphore(%arg12 : memref<!tpu.dma_semaphore, #tpu.memory_space<semaphore_mem>>) src(%dma_wait3A_374 : memref<1000000xf32, #tpu.memory_space<hbm>>) dst(%dma_wait3A_369 : memref<512xf32, #tpu.memory_space<vmem>>)
    %dma_wait3A_375 = arith.constant 1 : i32
    %dma_wait3A_376 = arith.constant 1 : i32
    %dma_wait3A_377 = arith.constant 0 : i32
    %dma_wait3A_378 = tpu.memref_slice %arg11[%dma_wait3A_376, %dma_wait3A_377] : memref<16x512xf32, #tpu.memory_space<vmem>> -> memref<1x512xf32, #tpu.memory_space<vmem>>
    %dma_wait3A_379 = tpu.memref_squeeze %dma_wait3A_378 : memref<1x512xf32, #tpu.memory_space<vmem>> -> memref<512xf32, #tpu.memory_space<vmem>>
    %dma_wait3A_380 = arith.constant 0 : i32
    %dma_wait3A_381 = tpu.memref_slice %arg4[%dma_wait3A_375, %dma_wait3A_380] : memref<16x1000000xf32, #tpu.memory_space<hbm>> -> memref<1x1000000xf32, #tpu.memory_space<hbm>>
    %dma_wait3A_382 = tpu.memref_squeeze %dma_wait3A_381 : memref<1x1000000xf32, #tpu.memory_space<hbm>> -> memref<1000000xf32, #tpu.memory_space<hbm>>
    %dma_wait3A_383 = arith.constant 0 : i32
    %dma_wait3A_384 = tpu.memref_slice %dma_wait3A_382[%dma_wait3A_383] : memref<1000000xf32, #tpu.memory_space<hbm>> -> memref<1000000xf32, #tpu.memory_space<hbm>>
    tpu.wait_indirect_dma semaphore(%arg13 : memref<!tpu.dma_semaphore, #tpu.memory_space<semaphore_mem>>) src(%dma_wait3A_384 : memref<1000000xf32, #tpu.memory_space<hbm>>) dst(%dma_wait3A_379 : memref<512xf32, #tpu.memory_space<vmem>>)
    %dma_wait3A_385 = arith.constant 2 : i32
    %dma_wait3A_386 = arith.constant 2 : i32
    %dma_wait3A_387 = arith.constant 0 : i32
    %dma_wait3A_388 = tpu.memref_slice %arg10[%dma_wait3A_386, %dma_wait3A_387] : memref<16x512xf32, #tpu.memory_space<vmem>> -> memref<1x512xf32, #tpu.memory_space<vmem>>
    %dma_wait3A_389 = tpu.memref_squeeze %dma_wait3A_388 : memref<1x512xf32, #tpu.memory_space<vmem>> -> memref<512xf32, #tpu.memory_space<vmem>>
    %dma_wait3A_390 = arith.constant 0 : i32
    %dma_wait3A_391 = tpu.memref_slice %arg4[%dma_wait3A_385, %dma_wait3A_390] : memref<16x1000000xf32, #tpu.memory_space<hbm>> -> memref<1x1000000xf32, #tpu.memory_space<hbm>>
    %dma_wait3A_392 = tpu.memref_squeeze %dma_wait3A_391 : memref<1x1000000xf32, #tpu.memory_space<hbm>> -> memref<1000000xf32, #tpu.memory_space<hbm>>
    %dma_wait3A_393 = arith.constant 0 : i32
    %dma_wait3A_394 = tpu.memref_slice %dma_wait3A_392[%dma_wait3A_393] : memref<1000000xf32, #tpu.memory_space<hbm>> -> memref<1000000xf32, #tpu.memory_space<hbm>>
    tpu.wait_indirect_dma semaphore(%arg12 : memref<!tpu.dma_semaphore, #tpu.memory_space<semaphore_mem>>) src(%dma_wait3A_394 : memref<1000000xf32, #tpu.memory_space<hbm>>) dst(%dma_wait3A_389 : memref<512xf32, #tpu.memory_space<vmem>>)
    %dma_wait3A_395 = arith.constant 2 : i32
    %dma_wait3A_396 = arith.constant 2 : i32
    %dma_wait3A_397 = arith.constant 0 : i32
    %dma_wait3A_398 = tpu.memref_slice %arg11[%dma_wait3A_396, %dma_wait3A_397] : memref<16x512xf32, #tpu.memory_space<vmem>> -> memref<1x512xf32, #tpu.memory_space<vmem>>
    %dma_wait3A_399 = tpu.memref_squeeze %dma_wait3A_398 : memref<1x512xf32, #tpu.memory_space<vmem>> -> memref<512xf32, #tpu.memory_space<vmem>>
    %dma_wait3A_400 = arith.constant 0 : i32
    %dma_wait3A_401 = tpu.memref_slice %arg4[%dma_wait3A_395, %dma_wait3A_400] : memref<16x1000000xf32, #tpu.memory_space<hbm>> -> memref<1x1000000xf32, #tpu.memory_space<hbm>>
    %dma_wait3A_402 = tpu.memref_squeeze %dma_wait3A_401 : memref<1x1000000xf32, #tpu.memory_space<hbm>> -> memref<1000000xf32, #tpu.memory_space<hbm>>
    %dma_wait3A_403 = arith.constant 0 : i32
    %dma_wait3A_404 = tpu.memref_slice %dma_wait3A_402[%dma_wait3A_403] : memref<1000000xf32, #tpu.memory_space<hbm>> -> memref<1000000xf32, #tpu.memory_space<hbm>>
    tpu.wait_indirect_dma semaphore(%arg13 : memref<!tpu.dma_semaphore, #tpu.memory_space<semaphore_mem>>) src(%dma_wait3A_404 : memref<1000000xf32, #tpu.memory_space<hbm>>) dst(%dma_wait3A_399 : memref<512xf32, #tpu.memory_space<vmem>>)
    %dma_wait3A_405 = arith.constant 3 : i32
    %dma_wait3A_406 = arith.constant 3 : i32
    %dma_wait3A_407 = arith.constant 0 : i32
    %dma_wait3A_408 = tpu.memref_slice %arg10[%dma_wait3A_406, %dma_wait3A_407] : memref<16x512xf32, #tpu.memory_space<vmem>> -> memref<1x512xf32, #tpu.memory_space<vmem>>
    %dma_wait3A_409 = tpu.memref_squeeze %dma_wait3A_408 : memref<1x512xf32, #tpu.memory_space<vmem>> -> memref<512xf32, #tpu.memory_space<vmem>>
    %dma_wait3A_410 = arith.constant 0 : i32
    %dma_wait3A_411 = tpu.memref_slice %arg4[%dma_wait3A_405, %dma_wait3A_410] : memref<16x1000000xf32, #tpu.memory_space<hbm>> -> memref<1x1000000xf32, #tpu.memory_space<hbm>>
    %dma_wait3A_412 = tpu.memref_squeeze %dma_wait3A_411 : memref<1x1000000xf32, #tpu.memory_space<hbm>> -> memref<1000000xf32, #tpu.memory_space<hbm>>
    %dma_wait3A_413 = arith.constant 0 : i32
    %dma_wait3A_414 = tpu.memref_slice %dma_wait3A_412[%dma_wait3A_413] : memref<1000000xf32, #tpu.memory_space<hbm>> -> memref<1000000xf32, #tpu.memory_space<hbm>>
    tpu.wait_indirect_dma semaphore(%arg12 : memref<!tpu.dma_semaphore, #tpu.memory_space<semaphore_mem>>) src(%dma_wait3A_414 : memref<1000000xf32, #tpu.memory_space<hbm>>) dst(%dma_wait3A_409 : memref<512xf32, #tpu.memory_space<vmem>>)
    %dma_wait3A_415 = arith.constant 3 : i32
    %dma_wait3A_416 = arith.constant 3 : i32
    %dma_wait3A_417 = arith.constant 0 : i32
    %dma_wait3A_418 = tpu.memref_slice %arg11[%dma_wait3A_416, %dma_wait3A_417] : memref<16x512xf32, #tpu.memory_space<vmem>> -> memref<1x512xf32, #tpu.memory_space<vmem>>
    %dma_wait3A_419 = tpu.memref_squeeze %dma_wait3A_418 : memref<1x512xf32, #tpu.memory_space<vmem>> -> memref<512xf32, #tpu.memory_space<vmem>>
    %dma_wait3A_420 = arith.constant 0 : i32
    %dma_wait3A_421 = tpu.memref_slice %arg4[%dma_wait3A_415, %dma_wait3A_420] : memref<16x1000000xf32, #tpu.memory_space<hbm>> -> memref<1x1000000xf32, #tpu.memory_space<hbm>>
    %dma_wait3A_422 = tpu.memref_squeeze %dma_wait3A_421 : memref<1x1000000xf32, #tpu.memory_space<hbm>> -> memref<1000000xf32, #tpu.memory_space<hbm>>
    %dma_wait3A_423 = arith.constant 0 : i32
    %dma_wait3A_424 = tpu.memref_slice %dma_wait3A_422[%dma_wait3A_423] : memref<1000000xf32, #tpu.memory_space<hbm>> -> memref<1000000xf32, #tpu.memory_space<hbm>>
    tpu.wait_indirect_dma semaphore(%arg13 : memref<!tpu.dma_semaphore, #tpu.memory_space<semaphore_mem>>) src(%dma_wait3A_424 : memref<1000000xf32, #tpu.memory_space<hbm>>) dst(%dma_wait3A_419 : memref<512xf32, #tpu.memory_space<vmem>>)
    %dma_wait3A_425 = arith.constant 4 : i32
    %dma_wait3A_426 = arith.constant 4 : i32
    %dma_wait3A_427 = arith.constant 0 : i32
    %dma_wait3A_428 = tpu.memref_slice %arg10[%dma_wait3A_426, %dma_wait3A_427] : memref<16x512xf32, #tpu.memory_space<vmem>> -> memref<1x512xf32, #tpu.memory_space<vmem>>
    %dma_wait3A_429 = tpu.memref_squeeze %dma_wait3A_428 : memref<1x512xf32, #tpu.memory_space<vmem>> -> memref<512xf32, #tpu.memory_space<vmem>>
    %dma_wait3A_430 = arith.constant 0 : i32
    %dma_wait3A_431 = tpu.memref_slice %arg4[%dma_wait3A_425, %dma_wait3A_430] : memref<16x1000000xf32, #tpu.memory_space<hbm>> -> memref<1x1000000xf32, #tpu.memory_space<hbm>>
    %dma_wait3A_432 = tpu.memref_squeeze %dma_wait3A_431 : memref<1x1000000xf32, #tpu.memory_space<hbm>> -> memref<1000000xf32, #tpu.memory_space<hbm>>
    %dma_wait3A_433 = arith.constant 0 : i32
    %dma_wait3A_434 = tpu.memref_slice %dma_wait3A_432[%dma_wait3A_433] : memref<1000000xf32, #tpu.memory_space<hbm>> -> memref<1000000xf32, #tpu.memory_space<hbm>>
    tpu.wait_indirect_dma semaphore(%arg12 : memref<!tpu.dma_semaphore, #tpu.memory_space<semaphore_mem>>) src(%dma_wait3A_434 : memref<1000000xf32, #tpu.memory_space<hbm>>) dst(%dma_wait3A_429 : memref<512xf32, #tpu.memory_space<vmem>>)
    %dma_wait3A_435 = arith.constant 4 : i32
    %dma_wait3A_436 = arith.constant 4 : i32
    %dma_wait3A_437 = arith.constant 0 : i32
    %dma_wait3A_438 = tpu.memref_slice %arg11[%dma_wait3A_436, %dma_wait3A_437] : memref<16x512xf32, #tpu.memory_space<vmem>> -> memref<1x512xf32, #tpu.memory_space<vmem>>
    %dma_wait3A_439 = tpu.memref_squeeze %dma_wait3A_438 : memref<1x512xf32, #tpu.memory_space<vmem>> -> memref<512xf32, #tpu.memory_space<vmem>>
    %dma_wait3A_440 = arith.constant 0 : i32
    %dma_wait3A_441 = tpu.memref_slice %arg4[%dma_wait3A_435, %dma_wait3A_440] : memref<16x1000000xf32, #tpu.memory_space<hbm>> -> memref<1x1000000xf32, #tpu.memory_space<hbm>>
    %dma_wait3A_442 = tpu.memref_squeeze %dma_wait3A_441 : memref<1x1000000xf32, #tpu.memory_space<hbm>> -> memref<1000000xf32, #tpu.memory_space<hbm>>
    %dma_wait3A_443 = arith.constant 0 : i32
    %dma_wait3A_444 = tpu.memref_slice %dma_wait3A_442[%dma_wait3A_443] : memref<1000000xf32, #tpu.memory_space<hbm>> -> memref<1000000xf32, #tpu.memory_space<hbm>>
    tpu.wait_indirect_dma semaphore(%arg13 : memref<!tpu.dma_semaphore, #tpu.memory_space<semaphore_mem>>) src(%dma_wait3A_444 : memref<1000000xf32, #tpu.memory_space<hbm>>) dst(%dma_wait3A_439 : memref<512xf32, #tpu.memory_space<vmem>>)
    %dma_wait3A_445 = arith.constant 5 : i32
    %dma_wait3A_446 = arith.constant 5 : i32
    %dma_wait3A_447 = arith.constant 0 : i32
    %dma_wait3A_448 = tpu.memref_slice %arg10[%dma_wait3A_446, %dma_wait3A_447] : memref<16x512xf32, #tpu.memory_space<vmem>> -> memref<1x512xf32, #tpu.memory_space<vmem>>
    %dma_wait3A_449 = tpu.memref_squeeze %dma_wait3A_448 : memref<1x512xf32, #tpu.memory_space<vmem>> -> memref<512xf32, #tpu.memory_space<vmem>>
    %dma_wait3A_450 = arith.constant 0 : i32
    %dma_wait3A_451 = tpu.memref_slice %arg4[%dma_wait3A_445, %dma_wait3A_450] : memref<16x1000000xf32, #tpu.memory_space<hbm>> -> memref<1x1000000xf32, #tpu.memory_space<hbm>>
    %dma_wait3A_452 = tpu.memref_squeeze %dma_wait3A_451 : memref<1x1000000xf32, #tpu.memory_space<hbm>> -> memref<1000000xf32, #tpu.memory_space<hbm>>
    %dma_wait3A_453 = arith.constant 0 : i32
    %dma_wait3A_454 = tpu.memref_slice %dma_wait3A_452[%dma_wait3A_453] : memref<1000000xf32, #tpu.memory_space<hbm>> -> memref<1000000xf32, #tpu.memory_space<hbm>>
    tpu.wait_indirect_dma semaphore(%arg12 : memref<!tpu.dma_semaphore, #tpu.memory_space<semaphore_mem>>) src(%dma_wait3A_454 : memref<1000000xf32, #tpu.memory_space<hbm>>) dst(%dma_wait3A_449 : memref<512xf32, #tpu.memory_space<vmem>>)
    %dma_wait3A_455 = arith.constant 5 : i32
    %dma_wait3A_456 = arith.constant 5 : i32
    %dma_wait3A_457 = arith.constant 0 : i32
    %dma_wait3A_458 = tpu.memref_slice %arg11[%dma_wait3A_456, %dma_wait3A_457] : memref<16x512xf32, #tpu.memory_space<vmem>> -> memref<1x512xf32, #tpu.memory_space<vmem>>
    %dma_wait3A_459 = tpu.memref_squeeze %dma_wait3A_458 : memref<1x512xf32, #tpu.memory_space<vmem>> -> memref<512xf32, #tpu.memory_space<vmem>>
    %dma_wait3A_460 = arith.constant 0 : i32
    %dma_wait3A_461 = tpu.memref_slice %arg4[%dma_wait3A_455, %dma_wait3A_460] : memref<16x1000000xf32, #tpu.memory_space<hbm>> -> memref<1x1000000xf32, #tpu.memory_space<hbm>>
    %dma_wait3A_462 = tpu.memref_squeeze %dma_wait3A_461 : memref<1x1000000xf32, #tpu.memory_space<hbm>> -> memref<1000000xf32, #tpu.memory_space<hbm>>
    %dma_wait3A_463 = arith.constant 0 : i32
    %dma_wait3A_464 = tpu.memref_slice %dma_wait3A_462[%dma_wait3A_463] : memref<1000000xf32, #tpu.memory_space<hbm>> -> memref<1000000xf32, #tpu.memory_space<hbm>>
    tpu.wait_indirect_dma semaphore(%arg13 : memref<!tpu.dma_semaphore, #tpu.memory_space<semaphore_mem>>) src(%dma_wait3A_464 : memref<1000000xf32, #tpu.memory_space<hbm>>) dst(%dma_wait3A_459 : memref<512xf32, #tpu.memory_space<vmem>>)
    %dma_wait3A_465 = arith.constant 6 : i32
    %dma_wait3A_466 = arith.constant 6 : i32
    %dma_wait3A_467 = arith.constant 0 : i32
    %dma_wait3A_468 = tpu.memref_slice %arg10[%dma_wait3A_466, %dma_wait3A_467] : memref<16x512xf32, #tpu.memory_space<vmem>> -> memref<1x512xf32, #tpu.memory_space<vmem>>
    %dma_wait3A_469 = tpu.memref_squeeze %dma_wait3A_468 : memref<1x512xf32, #tpu.memory_space<vmem>> -> memref<512xf32, #tpu.memory_space<vmem>>
    %dma_wait3A_470 = arith.constant 0 : i32
    %dma_wait3A_471 = tpu.memref_slice %arg4[%dma_wait3A_465, %dma_wait3A_470] : memref<16x1000000xf32, #tpu.memory_space<hbm>> -> memref<1x1000000xf32, #tpu.memory_space<hbm>>
    %dma_wait3A_472 = tpu.memref_squeeze %dma_wait3A_471 : memref<1x1000000xf32, #tpu.memory_space<hbm>> -> memref<1000000xf32, #tpu.memory_space<hbm>>
    %dma_wait3A_473 = arith.constant 0 : i32
    %dma_wait3A_474 = tpu.memref_slice %dma_wait3A_472[%dma_wait3A_473] : memref<1000000xf32, #tpu.memory_space<hbm>> -> memref<1000000xf32, #tpu.memory_space<hbm>>
    tpu.wait_indirect_dma semaphore(%arg12 : memref<!tpu.dma_semaphore, #tpu.memory_space<semaphore_mem>>) src(%dma_wait3A_474 : memref<1000000xf32, #tpu.memory_space<hbm>>) dst(%dma_wait3A_469 : memref<512xf32, #tpu.memory_space<vmem>>)
    %dma_wait3A_475 = arith.constant 6 : i32
    %dma_wait3A_476 = arith.constant 6 : i32
    %dma_wait3A_477 = arith.constant 0 : i32
    %dma_wait3A_478 = tpu.memref_slice %arg11[%dma_wait3A_476, %dma_wait3A_477] : memref<16x512xf32, #tpu.memory_space<vmem>> -> memref<1x512xf32, #tpu.memory_space<vmem>>
    %dma_wait3A_479 = tpu.memref_squeeze %dma_wait3A_478 : memref<1x512xf32, #tpu.memory_space<vmem>> -> memref<512xf32, #tpu.memory_space<vmem>>
    %dma_wait3A_480 = arith.constant 0 : i32
    %dma_wait3A_481 = tpu.memref_slice %arg4[%dma_wait3A_475, %dma_wait3A_480] : memref<16x1000000xf32, #tpu.memory_space<hbm>> -> memref<1x1000000xf32, #tpu.memory_space<hbm>>
    %dma_wait3A_482 = tpu.memref_squeeze %dma_wait3A_481 : memref<1x1000000xf32, #tpu.memory_space<hbm>> -> memref<1000000xf32, #tpu.memory_space<hbm>>
    %dma_wait3A_483 = arith.constant 0 : i32
    %dma_wait3A_484 = tpu.memref_slice %dma_wait3A_482[%dma_wait3A_483] : memref<1000000xf32, #tpu.memory_space<hbm>> -> memref<1000000xf32, #tpu.memory_space<hbm>>
    tpu.wait_indirect_dma semaphore(%arg13 : memref<!tpu.dma_semaphore, #tpu.memory_space<semaphore_mem>>) src(%dma_wait3A_484 : memref<1000000xf32, #tpu.memory_space<hbm>>) dst(%dma_wait3A_479 : memref<512xf32, #tpu.memory_space<vmem>>)
    %dma_wait3A_485 = arith.constant 7 : i32
    %dma_wait3A_486 = arith.constant 7 : i32
    %dma_wait3A_487 = arith.constant 0 : i32
    %dma_wait3A_488 = tpu.memref_slice %arg10[%dma_wait3A_486, %dma_wait3A_487] : memref<16x512xf32, #tpu.memory_space<vmem>> -> memref<1x512xf32, #tpu.memory_space<vmem>>
    %dma_wait3A_489 = tpu.memref_squeeze %dma_wait3A_488 : memref<1x512xf32, #tpu.memory_space<vmem>> -> memref<512xf32, #tpu.memory_space<vmem>>
    %dma_wait3A_490 = arith.constant 0 : i32
    %dma_wait3A_491 = tpu.memref_slice %arg4[%dma_wait3A_485, %dma_wait3A_490] : memref<16x1000000xf32, #tpu.memory_space<hbm>> -> memref<1x1000000xf32, #tpu.memory_space<hbm>>
    %dma_wait3A_492 = tpu.memref_squeeze %dma_wait3A_491 : memref<1x1000000xf32, #tpu.memory_space<hbm>> -> memref<1000000xf32, #tpu.memory_space<hbm>>
    %dma_wait3A_493 = arith.constant 0 : i32
    %dma_wait3A_494 = tpu.memref_slice %dma_wait3A_492[%dma_wait3A_493] : memref<1000000xf32, #tpu.memory_space<hbm>> -> memref<1000000xf32, #tpu.memory_space<hbm>>
    tpu.wait_indirect_dma semaphore(%arg12 : memref<!tpu.dma_semaphore, #tpu.memory_space<semaphore_mem>>) src(%dma_wait3A_494 : memref<1000000xf32, #tpu.memory_space<hbm>>) dst(%dma_wait3A_489 : memref<512xf32, #tpu.memory_space<vmem>>)
    %dma_wait3A_495 = arith.constant 7 : i32
    %dma_wait3A_496 = arith.constant 7 : i32
    %dma_wait3A_497 = arith.constant 0 : i32
    %dma_wait3A_498 = tpu.memref_slice %arg11[%dma_wait3A_496, %dma_wait3A_497] : memref<16x512xf32, #tpu.memory_space<vmem>> -> memref<1x512xf32, #tpu.memory_space<vmem>>
    %dma_wait3A_499 = tpu.memref_squeeze %dma_wait3A_498 : memref<1x512xf32, #tpu.memory_space<vmem>> -> memref<512xf32, #tpu.memory_space<vmem>>
    %dma_wait3A_500 = arith.constant 0 : i32
    %dma_wait3A_501 = tpu.memref_slice %arg4[%dma_wait3A_495, %dma_wait3A_500] : memref<16x1000000xf32, #tpu.memory_space<hbm>> -> memref<1x1000000xf32, #tpu.memory_space<hbm>>
    %dma_wait3A_502 = tpu.memref_squeeze %dma_wait3A_501 : memref<1x1000000xf32, #tpu.memory_space<hbm>> -> memref<1000000xf32, #tpu.memory_space<hbm>>
    %dma_wait3A_503 = arith.constant 0 : i32
    %dma_wait3A_504 = tpu.memref_slice %dma_wait3A_502[%dma_wait3A_503] : memref<1000000xf32, #tpu.memory_space<hbm>> -> memref<1000000xf32, #tpu.memory_space<hbm>>
    tpu.wait_indirect_dma semaphore(%arg13 : memref<!tpu.dma_semaphore, #tpu.memory_space<semaphore_mem>>) src(%dma_wait3A_504 : memref<1000000xf32, #tpu.memory_space<hbm>>) dst(%dma_wait3A_499 : memref<512xf32, #tpu.memory_space<vmem>>)
    %dma_wait3A_505 = arith.constant 8 : i32
    %dma_wait3A_506 = arith.constant 8 : i32
    %dma_wait3A_507 = arith.constant 0 : i32
    %dma_wait3A_508 = tpu.memref_slice %arg10[%dma_wait3A_506, %dma_wait3A_507] : memref<16x512xf32, #tpu.memory_space<vmem>> -> memref<1x512xf32, #tpu.memory_space<vmem>>
    %dma_wait3A_509 = tpu.memref_squeeze %dma_wait3A_508 : memref<1x512xf32, #tpu.memory_space<vmem>> -> memref<512xf32, #tpu.memory_space<vmem>>
    %dma_wait3A_510 = arith.constant 0 : i32
    %dma_wait3A_511 = tpu.memref_slice %arg4[%dma_wait3A_505, %dma_wait3A_510] : memref<16x1000000xf32, #tpu.memory_space<hbm>> -> memref<1x1000000xf32, #tpu.memory_space<hbm>>
    %dma_wait3A_512 = tpu.memref_squeeze %dma_wait3A_511 : memref<1x1000000xf32, #tpu.memory_space<hbm>> -> memref<1000000xf32, #tpu.memory_space<hbm>>
    %dma_wait3A_513 = arith.constant 0 : i32
    %dma_wait3A_514 = tpu.memref_slice %dma_wait3A_512[%dma_wait3A_513] : memref<1000000xf32, #tpu.memory_space<hbm>> -> memref<1000000xf32, #tpu.memory_space<hbm>>
    tpu.wait_indirect_dma semaphore(%arg12 : memref<!tpu.dma_semaphore, #tpu.memory_space<semaphore_mem>>) src(%dma_wait3A_514 : memref<1000000xf32, #tpu.memory_space<hbm>>) dst(%dma_wait3A_509 : memref<512xf32, #tpu.memory_space<vmem>>)
    %dma_wait3A_515 = arith.constant 8 : i32
    %dma_wait3A_516 = arith.constant 8 : i32
    %dma_wait3A_517 = arith.constant 0 : i32
    %dma_wait3A_518 = tpu.memref_slice %arg11[%dma_wait3A_516, %dma_wait3A_517] : memref<16x512xf32, #tpu.memory_space<vmem>> -> memref<1x512xf32, #tpu.memory_space<vmem>>
    %dma_wait3A_519 = tpu.memref_squeeze %dma_wait3A_518 : memref<1x512xf32, #tpu.memory_space<vmem>> -> memref<512xf32, #tpu.memory_space<vmem>>
    %dma_wait3A_520 = arith.constant 0 : i32
    %dma_wait3A_521 = tpu.memref_slice %arg4[%dma_wait3A_515, %dma_wait3A_520] : memref<16x1000000xf32, #tpu.memory_space<hbm>> -> memref<1x1000000xf32, #tpu.memory_space<hbm>>
    %dma_wait3A_522 = tpu.memref_squeeze %dma_wait3A_521 : memref<1x1000000xf32, #tpu.memory_space<hbm>> -> memref<1000000xf32, #tpu.memory_space<hbm>>
    %dma_wait3A_523 = arith.constant 0 : i32
    %dma_wait3A_524 = tpu.memref_slice %dma_wait3A_522[%dma_wait3A_523] : memref<1000000xf32, #tpu.memory_space<hbm>> -> memref<1000000xf32, #tpu.memory_space<hbm>>
    tpu.wait_indirect_dma semaphore(%arg13 : memref<!tpu.dma_semaphore, #tpu.memory_space<semaphore_mem>>) src(%dma_wait3A_524 : memref<1000000xf32, #tpu.memory_space<hbm>>) dst(%dma_wait3A_519 : memref<512xf32, #tpu.memory_space<vmem>>)
    %dma_wait3A_525 = arith.constant 9 : i32
    %dma_wait3A_526 = arith.constant 9 : i32
    %dma_wait3A_527 = arith.constant 0 : i32
    %dma_wait3A_528 = tpu.memref_slice %arg10[%dma_wait3A_526, %dma_wait3A_527] : memref<16x512xf32, #tpu.memory_space<vmem>> -> memref<1x512xf32, #tpu.memory_space<vmem>>
    %dma_wait3A_529 = tpu.memref_squeeze %dma_wait3A_528 : memref<1x512xf32, #tpu.memory_space<vmem>> -> memref<512xf32, #tpu.memory_space<vmem>>
    %dma_wait3A_530 = arith.constant 0 : i32
    %dma_wait3A_531 = tpu.memref_slice %arg4[%dma_wait3A_525, %dma_wait3A_530] : memref<16x1000000xf32, #tpu.memory_space<hbm>> -> memref<1x1000000xf32, #tpu.memory_space<hbm>>
    %dma_wait3A_532 = tpu.memref_squeeze %dma_wait3A_531 : memref<1x1000000xf32, #tpu.memory_space<hbm>> -> memref<1000000xf32, #tpu.memory_space<hbm>>
    %dma_wait3A_533 = arith.constant 0 : i32
    %dma_wait3A_534 = tpu.memref_slice %dma_wait3A_532[%dma_wait3A_533] : memref<1000000xf32, #tpu.memory_space<hbm>> -> memref<1000000xf32, #tpu.memory_space<hbm>>
    tpu.wait_indirect_dma semaphore(%arg12 : memref<!tpu.dma_semaphore, #tpu.memory_space<semaphore_mem>>) src(%dma_wait3A_534 : memref<1000000xf32, #tpu.memory_space<hbm>>) dst(%dma_wait3A_529 : memref<512xf32, #tpu.memory_space<vmem>>)
    %dma_wait3A_535 = arith.constant 9 : i32
    %dma_wait3A_536 = arith.constant 9 : i32
    %dma_wait3A_537 = arith.constant 0 : i32
    %dma_wait3A_538 = tpu.memref_slice %arg11[%dma_wait3A_536, %dma_wait3A_537] : memref<16x512xf32, #tpu.memory_space<vmem>> -> memref<1x512xf32, #tpu.memory_space<vmem>>
    %dma_wait3A_539 = tpu.memref_squeeze %dma_wait3A_538 : memref<1x512xf32, #tpu.memory_space<vmem>> -> memref<512xf32, #tpu.memory_space<vmem>>
    %dma_wait3A_540 = arith.constant 0 : i32
    %dma_wait3A_541 = tpu.memref_slice %arg4[%dma_wait3A_535, %dma_wait3A_540] : memref<16x1000000xf32, #tpu.memory_space<hbm>> -> memref<1x1000000xf32, #tpu.memory_space<hbm>>
    %dma_wait3A_542 = tpu.memref_squeeze %dma_wait3A_541 : memref<1x1000000xf32, #tpu.memory_space<hbm>> -> memref<1000000xf32, #tpu.memory_space<hbm>>
    %dma_wait3A_543 = arith.constant 0 : i32
    %dma_wait3A_544 = tpu.memref_slice %dma_wait3A_542[%dma_wait3A_543] : memref<1000000xf32, #tpu.memory_space<hbm>> -> memref<1000000xf32, #tpu.memory_space<hbm>>
    tpu.wait_indirect_dma semaphore(%arg13 : memref<!tpu.dma_semaphore, #tpu.memory_space<semaphore_mem>>) src(%dma_wait3A_544 : memref<1000000xf32, #tpu.memory_space<hbm>>) dst(%dma_wait3A_539 : memref<512xf32, #tpu.memory_space<vmem>>)
    %dma_wait3A_545 = arith.constant 10 : i32
    %dma_wait3A_546 = arith.constant 10 : i32
    %dma_wait3A_547 = arith.constant 0 : i32
    %dma_wait3A_548 = tpu.memref_slice %arg10[%dma_wait3A_546, %dma_wait3A_547] : memref<16x512xf32, #tpu.memory_space<vmem>> -> memref<1x512xf32, #tpu.memory_space<vmem>>
    %dma_wait3A_549 = tpu.memref_squeeze %dma_wait3A_548 : memref<1x512xf32, #tpu.memory_space<vmem>> -> memref<512xf32, #tpu.memory_space<vmem>>
    %dma_wait3A_550 = arith.constant 0 : i32
    %dma_wait3A_551 = tpu.memref_slice %arg4[%dma_wait3A_545, %dma_wait3A_550] : memref<16x1000000xf32, #tpu.memory_space<hbm>> -> memref<1x1000000xf32, #tpu.memory_space<hbm>>
    %dma_wait3A_552 = tpu.memref_squeeze %dma_wait3A_551 : memref<1x1000000xf32, #tpu.memory_space<hbm>> -> memref<1000000xf32, #tpu.memory_space<hbm>>
    %dma_wait3A_553 = arith.constant 0 : i32
    %dma_wait3A_554 = tpu.memref_slice %dma_wait3A_552[%dma_wait3A_553] : memref<1000000xf32, #tpu.memory_space<hbm>> -> memref<1000000xf32, #tpu.memory_space<hbm>>
    tpu.wait_indirect_dma semaphore(%arg12 : memref<!tpu.dma_semaphore, #tpu.memory_space<semaphore_mem>>) src(%dma_wait3A_554 : memref<1000000xf32, #tpu.memory_space<hbm>>) dst(%dma_wait3A_549 : memref<512xf32, #tpu.memory_space<vmem>>)
    %dma_wait3A_555 = arith.constant 10 : i32
    %dma_wait3A_556 = arith.constant 10 : i32
    %dma_wait3A_557 = arith.constant 0 : i32
    %dma_wait3A_558 = tpu.memref_slice %arg11[%dma_wait3A_556, %dma_wait3A_557] : memref<16x512xf32, #tpu.memory_space<vmem>> -> memref<1x512xf32, #tpu.memory_space<vmem>>
    %dma_wait3A_559 = tpu.memref_squeeze %dma_wait3A_558 : memref<1x512xf32, #tpu.memory_space<vmem>> -> memref<512xf32, #tpu.memory_space<vmem>>
    %dma_wait3A_560 = arith.constant 0 : i32
    %dma_wait3A_561 = tpu.memref_slice %arg4[%dma_wait3A_555, %dma_wait3A_560] : memref<16x1000000xf32, #tpu.memory_space<hbm>> -> memref<1x1000000xf32, #tpu.memory_space<hbm>>
    %dma_wait3A_562 = tpu.memref_squeeze %dma_wait3A_561 : memref<1x1000000xf32, #tpu.memory_space<hbm>> -> memref<1000000xf32, #tpu.memory_space<hbm>>
    %dma_wait3A_563 = arith.constant 0 : i32
    %dma_wait3A_564 = tpu.memref_slice %dma_wait3A_562[%dma_wait3A_563] : memref<1000000xf32, #tpu.memory_space<hbm>> -> memref<1000000xf32, #tpu.memory_space<hbm>>
    tpu.wait_indirect_dma semaphore(%arg13 : memref<!tpu.dma_semaphore, #tpu.memory_space<semaphore_mem>>) src(%dma_wait3A_564 : memref<1000000xf32, #tpu.memory_space<hbm>>) dst(%dma_wait3A_559 : memref<512xf32, #tpu.memory_space<vmem>>)
    %dma_wait3A_565 = arith.constant 11 : i32
    %dma_wait3A_566 = arith.constant 11 : i32
    %dma_wait3A_567 = arith.constant 0 : i32
    %dma_wait3A_568 = tpu.memref_slice %arg10[%dma_wait3A_566, %dma_wait3A_567] : memref<16x512xf32, #tpu.memory_space<vmem>> -> memref<1x512xf32, #tpu.memory_space<vmem>>
    %dma_wait3A_569 = tpu.memref_squeeze %dma_wait3A_568 : memref<1x512xf32, #tpu.memory_space<vmem>> -> memref<512xf32, #tpu.memory_space<vmem>>
    %dma_wait3A_570 = arith.constant 0 : i32
    %dma_wait3A_571 = tpu.memref_slice %arg4[%dma_wait3A_565, %dma_wait3A_570] : memref<16x1000000xf32, #tpu.memory_space<hbm>> -> memref<1x1000000xf32, #tpu.memory_space<hbm>>
    %dma_wait3A_572 = tpu.memref_squeeze %dma_wait3A_571 : memref<1x1000000xf32, #tpu.memory_space<hbm>> -> memref<1000000xf32, #tpu.memory_space<hbm>>
    %dma_wait3A_573 = arith.constant 0 : i32
    %dma_wait3A_574 = tpu.memref_slice %dma_wait3A_572[%dma_wait3A_573] : memref<1000000xf32, #tpu.memory_space<hbm>> -> memref<1000000xf32, #tpu.memory_space<hbm>>
    tpu.wait_indirect_dma semaphore(%arg12 : memref<!tpu.dma_semaphore, #tpu.memory_space<semaphore_mem>>) src(%dma_wait3A_574 : memref<1000000xf32, #tpu.memory_space<hbm>>) dst(%dma_wait3A_569 : memref<512xf32, #tpu.memory_space<vmem>>)
    %dma_wait3A_575 = arith.constant 11 : i32
    %dma_wait3A_576 = arith.constant 11 : i32
    %dma_wait3A_577 = arith.constant 0 : i32
    %dma_wait3A_578 = tpu.memref_slice %arg11[%dma_wait3A_576, %dma_wait3A_577] : memref<16x512xf32, #tpu.memory_space<vmem>> -> memref<1x512xf32, #tpu.memory_space<vmem>>
    %dma_wait3A_579 = tpu.memref_squeeze %dma_wait3A_578 : memref<1x512xf32, #tpu.memory_space<vmem>> -> memref<512xf32, #tpu.memory_space<vmem>>
    %dma_wait3A_580 = arith.constant 0 : i32
    %dma_wait3A_581 = tpu.memref_slice %arg4[%dma_wait3A_575, %dma_wait3A_580] : memref<16x1000000xf32, #tpu.memory_space<hbm>> -> memref<1x1000000xf32, #tpu.memory_space<hbm>>
    %dma_wait3A_582 = tpu.memref_squeeze %dma_wait3A_581 : memref<1x1000000xf32, #tpu.memory_space<hbm>> -> memref<1000000xf32, #tpu.memory_space<hbm>>
    %dma_wait3A_583 = arith.constant 0 : i32
    %dma_wait3A_584 = tpu.memref_slice %dma_wait3A_582[%dma_wait3A_583] : memref<1000000xf32, #tpu.memory_space<hbm>> -> memref<1000000xf32, #tpu.memory_space<hbm>>
    tpu.wait_indirect_dma semaphore(%arg13 : memref<!tpu.dma_semaphore, #tpu.memory_space<semaphore_mem>>) src(%dma_wait3A_584 : memref<1000000xf32, #tpu.memory_space<hbm>>) dst(%dma_wait3A_579 : memref<512xf32, #tpu.memory_space<vmem>>)
    %dma_wait3A_585 = arith.constant 12 : i32
    %dma_wait3A_586 = arith.constant 12 : i32
    %dma_wait3A_587 = arith.constant 0 : i32
    %dma_wait3A_588 = tpu.memref_slice %arg10[%dma_wait3A_586, %dma_wait3A_587] : memref<16x512xf32, #tpu.memory_space<vmem>> -> memref<1x512xf32, #tpu.memory_space<vmem>>
    %dma_wait3A_589 = tpu.memref_squeeze %dma_wait3A_588 : memref<1x512xf32, #tpu.memory_space<vmem>> -> memref<512xf32, #tpu.memory_space<vmem>>
    %dma_wait3A_590 = arith.constant 0 : i32
    %dma_wait3A_591 = tpu.memref_slice %arg4[%dma_wait3A_585, %dma_wait3A_590] : memref<16x1000000xf32, #tpu.memory_space<hbm>> -> memref<1x1000000xf32, #tpu.memory_space<hbm>>
    %dma_wait3A_592 = tpu.memref_squeeze %dma_wait3A_591 : memref<1x1000000xf32, #tpu.memory_space<hbm>> -> memref<1000000xf32, #tpu.memory_space<hbm>>
    %dma_wait3A_593 = arith.constant 0 : i32
    %dma_wait3A_594 = tpu.memref_slice %dma_wait3A_592[%dma_wait3A_593] : memref<1000000xf32, #tpu.memory_space<hbm>> -> memref<1000000xf32, #tpu.memory_space<hbm>>
    tpu.wait_indirect_dma semaphore(%arg12 : memref<!tpu.dma_semaphore, #tpu.memory_space<semaphore_mem>>) src(%dma_wait3A_594 : memref<1000000xf32, #tpu.memory_space<hbm>>) dst(%dma_wait3A_589 : memref<512xf32, #tpu.memory_space<vmem>>)
    %dma_wait3A_595 = arith.constant 12 : i32
    %dma_wait3A_596 = arith.constant 12 : i32
    %dma_wait3A_597 = arith.constant 0 : i32
    %dma_wait3A_598 = tpu.memref_slice %arg11[%dma_wait3A_596, %dma_wait3A_597] : memref<16x512xf32, #tpu.memory_space<vmem>> -> memref<1x512xf32, #tpu.memory_space<vmem>>
    %dma_wait3A_599 = tpu.memref_squeeze %dma_wait3A_598 : memref<1x512xf32, #tpu.memory_space<vmem>> -> memref<512xf32, #tpu.memory_space<vmem>>
    %dma_wait3A_600 = arith.constant 0 : i32
    %dma_wait3A_601 = tpu.memref_slice %arg4[%dma_wait3A_595, %dma_wait3A_600] : memref<16x1000000xf32, #tpu.memory_space<hbm>> -> memref<1x1000000xf32, #tpu.memory_space<hbm>>
    %dma_wait3A_602 = tpu.memref_squeeze %dma_wait3A_601 : memref<1x1000000xf32, #tpu.memory_space<hbm>> -> memref<1000000xf32, #tpu.memory_space<hbm>>
    %dma_wait3A_603 = arith.constant 0 : i32
    %dma_wait3A_604 = tpu.memref_slice %dma_wait3A_602[%dma_wait3A_603] : memref<1000000xf32, #tpu.memory_space<hbm>> -> memref<1000000xf32, #tpu.memory_space<hbm>>
    tpu.wait_indirect_dma semaphore(%arg13 : memref<!tpu.dma_semaphore, #tpu.memory_space<semaphore_mem>>) src(%dma_wait3A_604 : memref<1000000xf32, #tpu.memory_space<hbm>>) dst(%dma_wait3A_599 : memref<512xf32, #tpu.memory_space<vmem>>)
    %dma_wait3A_605 = arith.constant 13 : i32
    %dma_wait3A_606 = arith.constant 13 : i32
    %dma_wait3A_607 = arith.constant 0 : i32
    %dma_wait3A_608 = tpu.memref_slice %arg10[%dma_wait3A_606, %dma_wait3A_607] : memref<16x512xf32, #tpu.memory_space<vmem>> -> memref<1x512xf32, #tpu.memory_space<vmem>>
    %dma_wait3A_609 = tpu.memref_squeeze %dma_wait3A_608 : memref<1x512xf32, #tpu.memory_space<vmem>> -> memref<512xf32, #tpu.memory_space<vmem>>
    %dma_wait3A_610 = arith.constant 0 : i32
    %dma_wait3A_611 = tpu.memref_slice %arg4[%dma_wait3A_605, %dma_wait3A_610] : memref<16x1000000xf32, #tpu.memory_space<hbm>> -> memref<1x1000000xf32, #tpu.memory_space<hbm>>
    %dma_wait3A_612 = tpu.memref_squeeze %dma_wait3A_611 : memref<1x1000000xf32, #tpu.memory_space<hbm>> -> memref<1000000xf32, #tpu.memory_space<hbm>>
    %dma_wait3A_613 = arith.constant 0 : i32
    %dma_wait3A_614 = tpu.memref_slice %dma_wait3A_612[%dma_wait3A_613] : memref<1000000xf32, #tpu.memory_space<hbm>> -> memref<1000000xf32, #tpu.memory_space<hbm>>
    tpu.wait_indirect_dma semaphore(%arg12 : memref<!tpu.dma_semaphore, #tpu.memory_space<semaphore_mem>>) src(%dma_wait3A_614 : memref<1000000xf32, #tpu.memory_space<hbm>>) dst(%dma_wait3A_609 : memref<512xf32, #tpu.memory_space<vmem>>)
    %dma_wait3A_615 = arith.constant 13 : i32
    %dma_wait3A_616 = arith.constant 13 : i32
    %dma_wait3A_617 = arith.constant 0 : i32
    %dma_wait3A_618 = tpu.memref_slice %arg11[%dma_wait3A_616, %dma_wait3A_617] : memref<16x512xf32, #tpu.memory_space<vmem>> -> memref<1x512xf32, #tpu.memory_space<vmem>>
    %dma_wait3A_619 = tpu.memref_squeeze %dma_wait3A_618 : memref<1x512xf32, #tpu.memory_space<vmem>> -> memref<512xf32, #tpu.memory_space<vmem>>
    %dma_wait3A_620 = arith.constant 0 : i32
    %dma_wait3A_621 = tpu.memref_slice %arg4[%dma_wait3A_615, %dma_wait3A_620] : memref<16x1000000xf32, #tpu.memory_space<hbm>> -> memref<1x1000000xf32, #tpu.memory_space<hbm>>
    %dma_wait3A_622 = tpu.memref_squeeze %dma_wait3A_621 : memref<1x1000000xf32, #tpu.memory_space<hbm>> -> memref<1000000xf32, #tpu.memory_space<hbm>>
    %dma_wait3A_623 = arith.constant 0 : i32
    %dma_wait3A_624 = tpu.memref_slice %dma_wait3A_622[%dma_wait3A_623] : memref<1000000xf32, #tpu.memory_space<hbm>> -> memref<1000000xf32, #tpu.memory_space<hbm>>
    tpu.wait_indirect_dma semaphore(%arg13 : memref<!tpu.dma_semaphore, #tpu.memory_space<semaphore_mem>>) src(%dma_wait3A_624 : memref<1000000xf32, #tpu.memory_space<hbm>>) dst(%dma_wait3A_619 : memref<512xf32, #tpu.memory_space<vmem>>)
    %dma_wait3A_625 = arith.constant 14 : i32
    %dma_wait3A_626 = arith.constant 14 : i32
    %dma_wait3A_627 = arith.constant 0 : i32
    %dma_wait3A_628 = tpu.memref_slice %arg10[%dma_wait3A_626, %dma_wait3A_627] : memref<16x512xf32, #tpu.memory_space<vmem>> -> memref<1x512xf32, #tpu.memory_space<vmem>>
    %dma_wait3A_629 = tpu.memref_squeeze %dma_wait3A_628 : memref<1x512xf32, #tpu.memory_space<vmem>> -> memref<512xf32, #tpu.memory_space<vmem>>
    %dma_wait3A_630 = arith.constant 0 : i32
    %dma_wait3A_631 = tpu.memref_slice %arg4[%dma_wait3A_625, %dma_wait3A_630] : memref<16x1000000xf32, #tpu.memory_space<hbm>> -> memref<1x1000000xf32, #tpu.memory_space<hbm>>
    %dma_wait3A_632 = tpu.memref_squeeze %dma_wait3A_631 : memref<1x1000000xf32, #tpu.memory_space<hbm>> -> memref<1000000xf32, #tpu.memory_space<hbm>>
    %dma_wait3A_633 = arith.constant 0 : i32
    %dma_wait3A_634 = tpu.memref_slice %dma_wait3A_632[%dma_wait3A_633] : memref<1000000xf32, #tpu.memory_space<hbm>> -> memref<1000000xf32, #tpu.memory_space<hbm>>
    tpu.wait_indirect_dma semaphore(%arg12 : memref<!tpu.dma_semaphore, #tpu.memory_space<semaphore_mem>>) src(%dma_wait3A_634 : memref<1000000xf32, #tpu.memory_space<hbm>>) dst(%dma_wait3A_629 : memref<512xf32, #tpu.memory_space<vmem>>)
    %dma_wait3A_635 = arith.constant 14 : i32
    %dma_wait3A_636 = arith.constant 14 : i32
    %dma_wait3A_637 = arith.constant 0 : i32
    %dma_wait3A_638 = tpu.memref_slice %arg11[%dma_wait3A_636, %dma_wait3A_637] : memref<16x512xf32, #tpu.memory_space<vmem>> -> memref<1x512xf32, #tpu.memory_space<vmem>>
    %dma_wait3A_639 = tpu.memref_squeeze %dma_wait3A_638 : memref<1x512xf32, #tpu.memory_space<vmem>> -> memref<512xf32, #tpu.memory_space<vmem>>
    %dma_wait3A_640 = arith.constant 0 : i32
    %dma_wait3A_641 = tpu.memref_slice %arg4[%dma_wait3A_635, %dma_wait3A_640] : memref<16x1000000xf32, #tpu.memory_space<hbm>> -> memref<1x1000000xf32, #tpu.memory_space<hbm>>
    %dma_wait3A_642 = tpu.memref_squeeze %dma_wait3A_641 : memref<1x1000000xf32, #tpu.memory_space<hbm>> -> memref<1000000xf32, #tpu.memory_space<hbm>>
    %dma_wait3A_643 = arith.constant 0 : i32
    %dma_wait3A_644 = tpu.memref_slice %dma_wait3A_642[%dma_wait3A_643] : memref<1000000xf32, #tpu.memory_space<hbm>> -> memref<1000000xf32, #tpu.memory_space<hbm>>
    tpu.wait_indirect_dma semaphore(%arg13 : memref<!tpu.dma_semaphore, #tpu.memory_space<semaphore_mem>>) src(%dma_wait3A_644 : memref<1000000xf32, #tpu.memory_space<hbm>>) dst(%dma_wait3A_639 : memref<512xf32, #tpu.memory_space<vmem>>)
    %dma_wait3A_645 = arith.constant 15 : i32
    %dma_wait3A_646 = arith.constant 15 : i32
    %dma_wait3A_647 = arith.constant 0 : i32
    %dma_wait3A_648 = tpu.memref_slice %arg10[%dma_wait3A_646, %dma_wait3A_647] : memref<16x512xf32, #tpu.memory_space<vmem>> -> memref<1x512xf32, #tpu.memory_space<vmem>>
    %dma_wait3A_649 = tpu.memref_squeeze %dma_wait3A_648 : memref<1x512xf32, #tpu.memory_space<vmem>> -> memref<512xf32, #tpu.memory_space<vmem>>
    %dma_wait3A_650 = arith.constant 0 : i32
    %dma_wait3A_651 = tpu.memref_slice %arg4[%dma_wait3A_645, %dma_wait3A_650] : memref<16x1000000xf32, #tpu.memory_space<hbm>> -> memref<1x1000000xf32, #tpu.memory_space<hbm>>
    %dma_wait3A_652 = tpu.memref_squeeze %dma_wait3A_651 : memref<1x1000000xf32, #tpu.memory_space<hbm>> -> memref<1000000xf32, #tpu.memory_space<hbm>>
    %dma_wait3A_653 = arith.constant 0 : i32
    %dma_wait3A_654 = tpu.memref_slice %dma_wait3A_652[%dma_wait3A_653] : memref<1000000xf32, #tpu.memory_space<hbm>> -> memref<1000000xf32, #tpu.memory_space<hbm>>
    tpu.wait_indirect_dma semaphore(%arg12 : memref<!tpu.dma_semaphore, #tpu.memory_space<semaphore_mem>>) src(%dma_wait3A_654 : memref<1000000xf32, #tpu.memory_space<hbm>>) dst(%dma_wait3A_649 : memref<512xf32, #tpu.memory_space<vmem>>)
    %dma_wait3A_655 = arith.constant 15 : i32
    %dma_wait3A_656 = arith.constant 15 : i32
    %dma_wait3A_657 = arith.constant 0 : i32
    %dma_wait3A_658 = tpu.memref_slice %arg11[%dma_wait3A_656, %dma_wait3A_657] : memref<16x512xf32, #tpu.memory_space<vmem>> -> memref<1x512xf32, #tpu.memory_space<vmem>>
    %dma_wait3A_659 = tpu.memref_squeeze %dma_wait3A_658 : memref<1x512xf32, #tpu.memory_space<vmem>> -> memref<512xf32, #tpu.memory_space<vmem>>
    %dma_wait3A_660 = arith.constant 0 : i32
    %dma_wait3A_661 = tpu.memref_slice %arg4[%dma_wait3A_655, %dma_wait3A_660] : memref<16x1000000xf32, #tpu.memory_space<hbm>> -> memref<1x1000000xf32, #tpu.memory_space<hbm>>
    %dma_wait3A_662 = tpu.memref_squeeze %dma_wait3A_661 : memref<1x1000000xf32, #tpu.memory_space<hbm>> -> memref<1000000xf32, #tpu.memory_space<hbm>>
    %dma_wait3A_663 = arith.constant 0 : i32
    %dma_wait3A_664 = tpu.memref_slice %dma_wait3A_662[%dma_wait3A_663] : memref<1000000xf32, #tpu.memory_space<hbm>> -> memref<1000000xf32, #tpu.memory_space<hbm>>
    tpu.wait_indirect_dma semaphore(%arg13 : memref<!tpu.dma_semaphore, #tpu.memory_space<semaphore_mem>>) src(%dma_wait3A_664 : memref<1000000xf32, #tpu.memory_space<hbm>>) dst(%dma_wait3A_659 : memref<512xf32, #tpu.memory_space<vmem>>)
    "tpu.region"() ({
      %run_scoped3A = tpu.sem_alloc : memref<!tpu.dma_semaphore, #tpu.memory_space<semaphore_mem>>
      %dma_start3A_665 = arith.constant 0 : i32
      %dma_start3A_666 = tpu.memref_slice %arg5[%dma_start3A_665, %mul3A_2] : memref<16x16384xf32, #tpu.memory_space<hbm>> -> memref<16x512xf32, #tpu.memory_space<hbm>>
      %dma_start3A_667 = arith.constant 0 : i32
      %dma_start3A_668 = tpu.memref_slice %arg5[%dma_start3A_667, %mul3A_2] : memref<16x16384xf32, #tpu.memory_space<hbm>> -> memref<16x512xf32, #tpu.memory_space<hbm>>
      tpu.enqueue_dma source(%arg10 : memref<16x512xf32, #tpu.memory_space<vmem>>) target(%dma_start3A_668 : memref<16x512xf32, #tpu.memory_space<hbm>>) target_semaphore(%run_scoped3A : memref<!tpu.dma_semaphore, #tpu.memory_space<semaphore_mem>>)
      %dma_wait3A_669 = arith.constant 0 : i32
      %dma_wait3A_670 = tpu.memref_slice %arg5[%dma_wait3A_669, %mul3A_2] : memref<16x16384xf32, #tpu.memory_space<hbm>> -> memref<16x512xf32, #tpu.memory_space<hbm>>
      %dma_wait3A_671 = arith.constant 0 : i32
      %dma_wait3A_672 = tpu.memref_slice %arg5[%dma_wait3A_671, %mul3A_2] : memref<16x16384xf32, #tpu.memory_space<hbm>> -> memref<16x512xf32, #tpu.memory_space<hbm>>
      tpu.wait_dma2 semaphore(%run_scoped3A : memref<!tpu.dma_semaphore, #tpu.memory_space<semaphore_mem>>) src(%arg10 : memref<16x512xf32, #tpu.memory_space<vmem>>) dst(%dma_wait3A_672 : memref<16x512xf32, #tpu.memory_space<hbm>>)
      tpu.yield
    }) : () -> ()
    "tpu.region"() ({
      %run_scoped3A = tpu.sem_alloc : memref<!tpu.dma_semaphore, #tpu.memory_space<semaphore_mem>>
      %dma_start3A_665 = arith.constant 0 : i32
      %dma_start3A_666 = tpu.memref_slice %arg6[%dma_start3A_665, %mul3A_2] : memref<16x16384xf32, #tpu.memory_space<hbm>> -> memref<16x512xf32, #tpu.memory_space<hbm>>
      %dma_start3A_667 = arith.constant 0 : i32
      %dma_start3A_668 = tpu.memref_slice %arg6[%dma_start3A_667, %mul3A_2] : memref<16x16384xf32, #tpu.memory_space<hbm>> -> memref<16x512xf32, #tpu.memory_space<hbm>>
      tpu.enqueue_dma source(%arg11 : memref<16x512xf32, #tpu.memory_space<vmem>>) target(%dma_start3A_668 : memref<16x512xf32, #tpu.memory_space<hbm>>) target_semaphore(%run_scoped3A : memref<!tpu.dma_semaphore, #tpu.memory_space<semaphore_mem>>)
      %dma_wait3A_669 = arith.constant 0 : i32
      %dma_wait3A_670 = tpu.memref_slice %arg6[%dma_wait3A_669, %mul3A_2] : memref<16x16384xf32, #tpu.memory_space<hbm>> -> memref<16x512xf32, #tpu.memory_space<hbm>>
      %dma_wait3A_671 = arith.constant 0 : i32
      %dma_wait3A_672 = tpu.memref_slice %arg6[%dma_wait3A_671, %mul3A_2] : memref<16x16384xf32, #tpu.memory_space<hbm>> -> memref<16x512xf32, #tpu.memory_space<hbm>>
      tpu.wait_dma2 semaphore(%run_scoped3A : memref<!tpu.dma_semaphore, #tpu.memory_space<semaphore_mem>>) src(%arg11 : memref<16x512xf32, #tpu.memory_space<vmem>>) dst(%dma_wait3A_672 : memref<16x512xf32, #tpu.memory_space<hbm>>)
      tpu.yield
    }) : () -> ()
    return
  }
}

module attributes {stable_mosaic.version = 14 : i64} {
  func.func @_mm_body(%arg0: i32, %arg1: memref<16x2048xf32, #tpu.memory_space<vmem>>, %arg2: memref<16x2048xf32, #tpu.memory_space<vmem>>, %arg3: memref<48x32xf32, #tpu.memory_space<vmem>>, %arg4: memref<32xf32, #tpu.memory_space<vmem>>, %arg5: memref<2048x32xf32, #tpu.memory_space<vmem>>) attributes {dimension_semantics = [#tpu.dimension_semantics<arbitrary>], iteration_bounds = array<i64: 8>, scalar_prefetch = 0 : i64, scratch_operands = 0 : i64, tpu.core_type = #tpu.core_type<tc>, window_params = [{transform_indices = @transform_0, window_bounds = array<i64: 16, 2048>}, {transform_indices = @transform_1, window_bounds = array<i64: 16, 2048>}, {pipeline_mode = #tpu.pipeline_mode<synchronous>, transform_indices = @transform_2, window_bounds = array<i64: 48, 32>}, {pipeline_mode = #tpu.pipeline_mode<synchronous>, transform_indices = @transform_3, window_bounds = array<i64: 32>}, {transform_indices = @transform_4, window_bounds = array<i64: 2048, 32>}]} {
    %get3A = arith.constant 0 : index
    %get3A_0 = arith.constant 0 : index
    %get3A_1 = vector.load %arg1[%get3A, %get3A_0] : memref<16x2048xf32, #tpu.memory_space<vmem>>, vector<16x2048xf32>
    %get3A_2 = arith.constant 0 : index
    %get3A_3 = arith.constant 0 : index
    %get3A_4 = vector.load %arg2[%get3A_2, %get3A_3] : memref<16x2048xf32, #tpu.memory_space<vmem>>, vector<16x2048xf32>
    %get3A_5 = arith.constant 0 : index
    %get3A_6 = arith.constant 0 : index
    %get3A_7 = vector.load %arg3[%get3A_5, %get3A_6] : memref<48x32xf32, #tpu.memory_space<vmem>>, vector<16x32xf32>
    %dot_general3A = arith.constant dense<0.000000e+00> : vector<2048x32xf32>
    %dot_general3A_8 = tpu.matmul %get3A_1, %get3A_7, %dot_general3A {dimension_numbers = #tpu.dot_dimension_numbers<[0], [0], [1], [1], [0, 1, 1, 1], [], []>, precision = #tpu.contract_precision<fp32>, transpose_lhs_hint = false} : vector<16x2048xf32>, vector<16x32xf32>, vector<2048x32xf32> -> vector<2048x32xf32>
    %get3A_9 = arith.constant 16 : index
    %get3A_10 = arith.constant 0 : index
    %get3A_11 = vector.load %arg3[%get3A_9, %get3A_10] : memref<48x32xf32, #tpu.memory_space<vmem>>, vector<16x32xf32>
    %dot_general3A_12 = arith.constant dense<0.000000e+00> : vector<2048x32xf32>
    %dot_general3A_13 = tpu.matmul %get3A_4, %get3A_11, %dot_general3A_12 {dimension_numbers = #tpu.dot_dimension_numbers<[0], [0], [1], [1], [0, 1, 1, 1], [], []>, precision = #tpu.contract_precision<fp32>, transpose_lhs_hint = false} : vector<16x2048xf32>, vector<16x32xf32>, vector<2048x32xf32> -> vector<2048x32xf32>
    %add3A = arith.addf %dot_general3A_8, %dot_general3A_13 : vector<2048x32xf32>
    %mul3A = arith.mulf %get3A_1, %get3A_4 : vector<16x2048xf32>
    %get3A_14 = arith.constant 32 : index
    %get3A_15 = arith.constant 0 : index
    %get3A_16 = vector.load %arg3[%get3A_14, %get3A_15] : memref<48x32xf32, #tpu.memory_space<vmem>>, vector<16x32xf32>
    %dot_general3A_17 = arith.constant dense<0.000000e+00> : vector<2048x32xf32>
    %dot_general3A_18 = tpu.matmul %mul3A, %get3A_16, %dot_general3A_17 {dimension_numbers = #tpu.dot_dimension_numbers<[0], [0], [1], [1], [0, 1, 1, 1], [], []>, precision = #tpu.contract_precision<fp32>, transpose_lhs_hint = false} : vector<16x2048xf32>, vector<16x32xf32>, vector<2048x32xf32> -> vector<2048x32xf32>
    %add3A_19 = arith.addf %add3A, %dot_general3A_18 : vector<2048x32xf32>
    %get3A_20 = arith.constant 0 : index
    %get3A_21 = vector.load %arg4[%get3A_20] : memref<32xf32, #tpu.memory_space<vmem>>, vector<32xf32>
    %broadcast_in_dim3A = vector.shape_cast %get3A_21 : vector<32xf32> to vector<1x32xf32>
    %add3A_22 = vector.broadcast %broadcast_in_dim3A : vector<1x32xf32> to vector<2048x32xf32>
    %add3A_23 = arith.addf %add3A_19, %add3A_22 : vector<2048x32xf32>
    %tanh3A = math.tanh %add3A_23 : vector<2048x32xf32>
    %swap3A = arith.constant 0 : index
    %swap3A_24 = arith.constant 0 : index
    %swap3A_25 = vector.load %arg5[%swap3A, %swap3A_24] : memref<2048x32xf32, #tpu.memory_space<vmem>>, vector<2048x32xf32>
    tpu.vector_store %arg5[%swap3A, %swap3A_24], %tanh3A {strides = array<i32>} : memref<2048x32xf32, #tpu.memory_space<vmem>>, vector<2048x32xf32>,
    return
  }
  func.func @transform_0(%arg0: i32) -> (i32, i32) {
    %c0_i32 = arith.constant 0 : i32
    %c0_i32_0 = arith.constant 0 : i32
    return %c0_i32, %arg0 : i32, i32
  }
  func.func @transform_1(%arg0: i32) -> (i32, i32) {
    %c0_i32 = arith.constant 0 : i32
    %c0_i32_0 = arith.constant 0 : i32
    return %c0_i32, %arg0 : i32, i32
  }
  func.func @transform_2(%arg0: i32) -> (i32, i32) {
    %c0_i32 = arith.constant 0 : i32
    %c0_i32_0 = arith.constant 0 : i32
    %c0_i32_1 = arith.constant 0 : i32
    return %c0_i32, %c0_i32_0 : i32, i32
  }
  func.func @transform_3(%arg0: i32) -> i32 {
    %c0_i32 = arith.constant 0 : i32
    %c0_i32_0 = arith.constant 0 : i32
    return %c0_i32 : i32
  }
  func.func @transform_4(%arg0: i32) -> (i32, i32) {
    %c0_i32 = arith.constant 0 : i32
    %c0_i32_0 = arith.constant 0 : i32
    return %arg0, %c0_i32 : i32, i32
  }
}

</mosaic_0001>

<sc_bundles>
// kernel: kernel.4.cloned.1.call-start
scs
__scs_entry_jumppad:
0x0: {  	(pc) =	sbr.rel $0x88, $3  }
0x1: {  	(tag) =	ssettag $0x0;
	lr =	simm.s32 $0x1  }
0x2: {  	[smem:$0x3F9C] =	sst lr;
	_ =	strace $0xD0000000  }
0x3: {  	_ = 	snop  }
0x4: {  	_ = 	snop  }
0x5: {  	_ = 	snop  }
0x6: {  	_ = 	snop  }
0x7: {  	_ = 	snop  }
__scs_overlays_trampoline_lowered:
0x8: {  	[smem:$0x3FAB] =	sst s0  }
0x9: {  	[smem:$0x3FAC] =	sst s1  }
0xa: {  	[smem:$0x3FAD] =	sst s2  }
0xb: {  	[smem:$0x3FAE] =	sst s3  }
0xc: {  	[smem:$0x3FAF] =	sst s4  }
0xd: {  	[smem:$0x3FB0] =	sst s5  }
0xe: {  	[smem:$0x3FB1] =	sst s6  }
0xf: {  	[smem:$0x3FB2] =	sst s7  }
0x10: {  	[smem:$0x3FB3] =	sst s8  }
0x11: {  	[smem:$0x3FB4] =	sst s9;
	s0 =	simm.s32 @!p0 $0x0  }
0x12: {  	s1 =	sld [smem:$0x3F9A];
	s0 =	simm.s32 @p0 $0x1  }
0x13: {  	[smem:$0x3FB5] =	sst s0;
	s0 =	simm.s32 @!p1 $0x0  }
0x14: {  	s2 =	sld [smem:$0x3F99];
	s0 =	simm.s32 @p1 $0x1  }
0x15: {  	[smem:$0x3FB6] =	sst s0;
	s0 =	simm.s32 @!p2 $0x0  }
0x16: {  	s3 =	sld [smem:$0x3FDB];
	s0 =	simm.s32 @p2 $0x1  }
0x17: {  	s4 =	simm.s32 $0x1BF5;
	[smem:$0x3FB8] =	sst s0  }
0x18: {  	s0 =	sld [smem:$0x3F9B];
	_ =	swait.ge [sflag:s4], $0x0  }
0x19: {  	s7 =	sld [smem:$0x3F9C]  }
0x1a: {  	s8 =	sadd.s32 $0xFFFFE003, lr  }
0x1b: {  	s9 =	sadd.s32 $0xFFFFFEF7, lr;
	s5 =	simm.s32 $0xFFFFFFFF;
	p2 =	slt.u32 s8, $0xFFFFF086  }
0x1c: {  	p1 =	slt.u32 s9, $0xF7A;
	s5 =	simm.s32 @!p2 $0x0  }
0x1d: {  	s5 =	simm.s32 @p1 $0x1;
	p0 =	seq.s32 s7, s2  }
0x1e: {  	s7 =	smul.u32 @!p0 $0xF7A, s2;
	p2 =	seq.s32 @!p0 s5, $0x0  }
0x1f: {  	s9 =	smul.u32 $0xF7A, s1;
	s8 =	simm.s32 @!p0 $0x1BF5;
	p2 =	por !p2, p0  }
0x20: {  	[sflag:s8] =	ssyncset.s32 @!p0 $0xFFFFF086;
	s6 =	sadd.s32 @!p0 s3, s7;
	s7 =	simm.s32 @!p0 $0x108  }
0x21: {  	s3 =	sadd.s32 s3, s9;
	s6 =	sadd.s32 @!p0 $0x88, s6;
	s7 =	simm.s32 @p2 $0x1082  }
0x22: {  	[simem:s7], [sflag:s8] =	dma.local @!p0 [hbm:s6], $0xF7A  }
0x23: {  	s9 =	sor.u32 $0xD0000000, s2;
	s6 =	simm.s32 $0x108;
	_ =	swait.ge @!p0 [sflag:s8], $0x0  }
0x24: {  	s3 =	sadd.s32 $0x88, s3;
	s6 =	simm.s32 @!p1 $0x1082;
	[sflag:s4] =	ssyncset.s32 $0xFFFFF086  }
0x25: {  	[simem:s6], [sflag:s4] =	dma.local [hbm:s3], $0xF7A  }
0x26: {  	[smem:$0x3F9C] =	sst s1;
	(tag) =	ssettag s2;
	_ =	strace s9  }
0x27: {  	s1 =	sld [smem:$0x3FAC]  }
0x28: {  	s2 =	sld [smem:$0x3FAD]  }
0x29: {  	s4 =	sld [smem:$0x3FAF]  }
0x2a: {  	p0 =	seq.s32 s5, $0x0;
	s5 =	sld [smem:$0x3FB0]  }
0x2b: {  	s6 =	sld [smem:$0x3FB1]  }
0x2c: {  	s7 =	sld [smem:$0x3FB2]  }
0x2d: {  	s3 =	simm.s32 $0x108;
	s8 =	sld [smem:$0x3FB3]  }
0x2e: {  	s3 =	simm.s32 @!p0 $0x1082;
	s9 =	sld [smem:$0x3FB4]  }
0x2f: {  	lr =	sadd.s32 s0, s3;
	s0 =	sld [smem:$0x3FAB]  }
0x30: {  	s3 =	sld [smem:$0x3FAE]  }
0x31: {  	[smem:$0x3FB7] =	sst s10  }
0x32: {  	s10 =	sld [smem:$0x3FB5];
	_ =	sdelay $0x3  }
0x33: {  	p0 =	seq.s32 s10, $0x1;
	s10 =	sld [smem:$0x3FB7];
	_ =	sdelay $0x3  }
0x34: {  	[smem:$0x3FB7] =	sst s10  }
0x35: {  	s10 =	sld [smem:$0x3FB6];
	_ =	sdelay $0x3  }
0x36: {  	p1 =	seq.s32 s10, $0x1;
	s10 =	sld [smem:$0x3FB7];
	_ =	sdelay $0x3  }
0x37: {  	[smem:$0x3FB7] =	sst s10  }
0x38: {  	s10 =	sld [smem:$0x3FB8]  }
0x39: {  	_ = 	snop;
	(pc) =	sbr.ind lr, $3  }
0x3a: {  	_ = 	snop  }
0x3b: {  	_ = 	snop  }
0x3c: {  	p2 =	seq.s32 s10, $0x1;
	s10 =	sld [smem:$0x3FB7]  }
0x3d: {  	_ =	shalt  }
0x3e: {  	_ =	shalt  }
0x3f: {  	_ =	shalt  }
0x40: {  	_ =	shalt  }
0x41: {  	_ =	shalt  }
0x42: {  	_ =	shalt  }
0x43: {  	_ =	shalt  }
0x44: {  	_ =	shalt  }
0x45: {  	_ =	shalt  }
0x46: {  	_ =	shalt  }
0x47: {  	_ =	shalt  }
0x48: {  	_ =	shalt  }
0x49: {  	_ =	shalt  }
0x4a: {  	_ =	shalt  }
0x4b: {  	_ =	shalt  }
0x4c: {  	_ =	shalt  }
0x4d: {  	_ =	shalt  }
0x4e: {  	_ =	shalt  }
0x4f: {  	_ =	shalt  }
0x50: {  	_ =	shalt  }
0x51: {  	_ =	shalt  }
0x52: {  	_ =	shalt  }
0x53: {  	_ =	shalt  }
0x54: {  	_ =	shalt  }
0x55: {  	_ =	shalt  }
0x56: {  	_ =	shalt  }
0x57: {  	_ =	shalt  }
0x58: {  	_ =	shalt  }
0x59: {  	_ =	shalt  }
0x5a: {  	_ =	shalt  }
0x5b: {  	_ =	shalt  }
0x5c: {  	_ =	shalt  }
0x5d: {  	_ =	shalt  }
0x5e: {  	_ =	shalt  }
0x5f: {  	_ =	shalt  }
0x60: {  	_ =	shalt  }
0x61: {  	_ =	shalt  }
0x62: {  	_ =	shalt  }
0x63: {  	_ =	shalt  }
0x64: {  	_ =	shalt  }
0x65: {  	_ =	shalt  }
0x66: {  	_ =	shalt  }
0x67: {  	_ =	shalt  }
0x68: {  	_ =	shalt  }
0x69: {  	_ =	shalt  }
0x6a: {  	_ =	shalt  }
0x6b: {  	_ =	shalt  }
0x6c: {  	_ =	shalt  }
0x6d: {  	_ =	shalt  }
0x6e: {  	_ =	shalt  }
0x6f: {  	_ =	shalt  }
0x70: {  	_ =	shalt  }
0x71: {  	_ =	shalt  }
0x72: {  	_ =	shalt  }
0x73: {  	_ =	shalt  }
0x74: {  	_ =	shalt  }
0x75: {  	_ =	shalt  }
0x76: {  	_ =	shalt  }
0x77: {  	_ =	shalt  }
0x78: {  	_ =	shalt  }
0x79: {  	_ =	shalt  }
0x7a: {  	_ =	shalt  }
0x7b: {  	_ =	shalt  }
0x7c: {  	_ =	shalt  }
0x7d: {  	_ =	shalt  }
0x7e: {  	_ =	shalt  }
0x7f: {  	_ =	shalt  }
0x80: {  	_ =	shalt  }
0x81: {  	_ =	shalt  }
0x82: {  	_ =	shalt  }
0x83: {  	_ =	shalt  }
0x84: {  	_ =	shalt  }
0x85: {  	_ =	shalt  }
0x86: {  	_ =	shalt  }
0x87: {  	_ =	shalt  }
.Lfunc_end0:
.L_simem_size_0:
called_computation_lowered:
.L_overlay_start_0:
0x88: {  	s2 =	sld [smem:$0x3FD9]  }
0x89: {  	s3 =	sld [smem:$0x3FFE];
	_ =	sdelay $0x1  }
0x8a: {  	s1 =	srdreg.scid  }
0x8b: {  	s0 =	sand.u32 $0x1, s1  }
0x8c: {  	s17 =	sshll.u32 s0, $0xA;
	s2 =	sadd.s32 s3, s2  }
0x8d: {  	s2 =	sadd.s32 s2, s17  }
0x8e: {  	[smem:$0x3FC3] =	sst s2  }
0x8f: {  	_ = 	snop  }
0x90: {  	s2 =	sld [smem:$0x3FC9]  }
0x91: {  	s18 =	sld [smem:$0x3FD0];
	(tm) =	ssettm $0x1  }
0x92: {  	s4 =	sld [smem:$0x3FFB];
	_ =	sdelay $0x3  }
0x93: {  	_ =	strace s4  }
0x94: {  	s4 =	sld [smem:$0x3FFC];
	_ =	sdelay $0x3  }
0x95: {  	_ =	strace s4  }
0x96: {  	s4 =	sld [smem:$0x3FFD];
	_ =	sdelay $0x3  }
0x97: {  	_ =	strace s4  }
0x98: {  	_ =	strace $0x8FFFFFFF  }
0x99: {  	s19 =	sld [smem:$0x3FDB];
	_ =	sdelay $0x1  }
0x9a: {  	s5 =	simm.s32 $_scs_section_size  }
0x9b: {  	s6 =	simm.s32 $_size__tile_overlayer_lowered;
	s7 =	simm.s32 $_tile_overlayer_lowered  }
0x9c: {  	s22 =	simm.s32 $0x1BFF;
	s21 =	sshll.u32 s7, $0x1;
	s4 =	sadd.s32 s5, s19  }
0x9d: {  	s8 =	simm.s32 $0x0;
	s20 =	sshll.u32 s6, $0x1;
	s6 =	sadd.s32 s21, s4  }
0x9e: {  	[timem:s8], [sflag:s22] =	dma.local [hbm:s6], s20  }
0x9f: {  	_ =	swait.ge [sflag:s22], s20  }
0xa0: {  	s5 =	ssub.s32 $0x0, s20;
	[sflag:s22] =	ssyncset.done $0x0  }
0xa1: {  	[sflag:s22] =	ssyncadd.s32 s5;
	_ =	sdelay $0x1  }
0xa2: {  	s23 =	simm.s32 $0x1B8B  }
0xa3: {  	_ =	swait.ge [sflag:s23], $0x1  }
0xa4: {  	[sflag:s23] =	ssyncset.done $0x0  }
0xa5: {  	s25 =	simm.s32 $0x1B8E;
	s24 =	sld [smem:$0x3FFE];
	[sflag:s23] =	ssyncadd.s32 $0xFFFFFFFF  }
0xa6: {  	s26 =	simm.s32 $execute0_lowered;
	[smem:$0x3FD2] =	sst s25  }
0xa7: {  	s6 =	sshll.u32 s26, $0x1;
	_ =	strace $0x80000046;
	[dreg:$0x1] =	wrdreg $0xFFFFFFFF  }
0xa8: {  	s28 =	simm.s32 $_size_execute0_lowered;
	s4 =	sadd.s32 s4, s6;
	[dreg:$0x0] =	wrdreg $0x0  }
0xa9: {  	s6 =	sshll.u32 s28, $0x1;
	[dreg:$0x2] =	wrdreg s4  }
0xaa: {  	[dreg:$0x3] =	wrdreg s6  }
0xab: {  	[dreg:$0x4] =	wrdreg $0xC0  }
0xac: {  	_ =	task [dreg:s8], $0x5FFFF  }
0xad: {  	[dreg:$0x1] =	wrdreg $0xFFFFFFFF  }
0xae: {  	[dreg:$0x0] =	wrdreg $0x60  }
0xaf: {  	[dreg:$0x2] =	wrdreg s2  }
0xb0: {  	[dreg:$0x3] =	wrdreg s24  }
0xb1: {  	[dreg:$0x4] =	wrdreg s18  }
0xb2: {  	[dreg:$0x5] =	wrdreg $0x9  }
0xb3: {  	_ =	task.clear_ibuf [dreg:s8], $0x6FFFF;
	_ =	strace $0x90000046  }
0xb4: {  	s29 =	simm.s32 $0x9;
	_ =	strace $0x80000048  }
0xb5: {  	_ =	swait.ge [sflag:s29], $0x1  }
0xb6: {  	[sflag:s29] =	ssyncadd.s32 $0xFFFFFFFF  }
0xb7: {  	_ =	strace $0x90000048  }
0xb8: {  	_ =	sfence  }
0xb9: {  	s30 =	sld [smem:$0x0];
	_ =	sdelay $0x2  }
0xba: {  	s31 =	sshll.u32 s1, $0xD;
	s1 =	sshrl.u32 s1, $0x2  }
0xbb: {  	s3 =	sand.u32 $0x4000, s31;
	s1 =	sadd.s32 s1, s30  }
0xbc: {  	s0 =	sor.u32 s3, s0;
	s1 =	sshll.u32 s1, $0x11  }
0xbd: {  	s0 =	sor.u32 s1, s0  }
0xbe: {  	s0 =	sadd.s32 $0x8F2B, s0  }
0xbf: {  	[sflag:s0] =	ssyncadd.remote.s32 $0x1  }
0xc0: {  	_ =	sfence.sel $0xFFFF  }
0xc1: {  	[dreg:$0x0] =	wrdreg $0xFFFFFFFF;
	(pc) =	sbr.abs _section_cstart, $3  }
0xc2: {  	[dreg:$0x1] =	wrdreg $0xFFFFFFFF  }
0xc3: {  	_ =	task.clear_ibuf [dreg:s8], $0x2FFFF;
	_ =	strace $0x9FFFFFFF  }
0xc4: {  	(tm) =	ssettm $0x7FFFFFFF  }
0xc5: {  	_ =	shalt  }
tec
execute0_lowered:
.L_overlay_start_1:
0x0: {  	(tag) =	ssettag $0x1  }
0x1: {  	s9 =	rddreg [dreg:$0x0]  }
0x2: {  	s0 =	srdreg.scid;
	s1 =	rddreg [dreg:$0x1]  }
0x3: {  	s3 =	stileid.u32;
	s2 =	rddreg [dreg:$0x2];
	s10 =	simm.s32 $0x0  }
0x4: {  	s23 =	simm.s32 $0xA00;
	s24 =	simm.s32 $0x2A00;
	s25 =	simm.s32 $0xC00  }
0x5: {  	s26 =	simm.s32 $0x2C00;
	s6 =	simm.s32 $0x1000;
	s7 =	simm.s32 $0x3000  }
0x6: {  	s8 =	simm.s32 $0x1200;
	s11 =	simm.s32 $0x3200;
	[smem:$0x7FF] =	sst s10  }
0x7: {  	s12 =	simm.s32 $0x1400;
	_ =	strace $0x80000047;
	[dreg:$0x7] =	wrdreg s23  }
0x8: {  	s13 =	simm.s32 $0x3400;
	s14 =	simm.s32 $0x1600;
	[dreg:$0x8] =	wrdreg s24  }
0x9: {  	s15 =	simm.s32 $0x3600;
	s16 =	simm.s32 $0x1800;
	[dreg:$0x9] =	wrdreg s25  }
0xa: {  	s28 =	simm.s32 $0x400;
	s29 =	simm.s32 $0x600;
	[dreg:$0xa] =	wrdreg s26  }
0xb: {  	p0 =	por $0x0, $0x0;
	s31 =	simm.s32 $0x4600;
	[dreg:$0xd] =	wrdreg s6  }
0xc: {  	s0 =	sand.u32 $0x1, s0;
	s3 =	sshll.u32 s3, $0x7;
	[dreg:$0xe] =	wrdreg s7  }
0xd: {  	s17 =	sadd.s32 $0xC00, s1;
	s21 =	sadd.s32 $0xB7DB0, s1;
	[dreg:$0xf] =	wrdreg s8  }
0xe: {  	s20 =	sadd.s32 $0xD65F8, s1;
	s19 =	sadd.s32 $0xF4E40, s1;
	[dreg:$0x10] =	wrdreg s11  }
0xf: {  	s18 =	sadd.s32 $0x113688, s1;
	s4 =	sshll.u32 s0, $0x6;
	[dreg:$0x11] =	wrdreg s12  }
0x10: {  	s0 =	ssub.s32 $0x2, s0;
	s26 =	sadd.s32 $0x1F448, s1;
	[dreg:$0x12] =	wrdreg s13  }
0x11: {  	s25 =	sadd.s32 $0x3DC90, s1;
	s24 =	sadd.s32 $0x5C4D8, s1;
	[dreg:$0x13] =	wrdreg s14  }
0x12: {  	s23 =	sadd.s32 $0x7AD20, s1;
	[dreg:$0x15] =	wrdreg s16;
	s16 =	sadd.s32 $0x131ED0, s1  }
0x13: {  	[dreg:$0x14] =	wrdreg s15;
	s13 =	sadd.s32 $0x150718, s1;
	s6 =	simm.s32 $0x1C00  }
0x14: {  	s14 =	sadd.s32 $0x16EF60, s1;
	s7 =	simm.s32 $0x3C00;
	[dreg:$0x19] =	wrdreg s6  }
0x15: {  	s11 =	sadd.s32 $0x18D7A8, s1;
	s8 =	simm.s32 $0x1E00;
	[dreg:$0x1a] =	wrdreg s7  }
0x16: {  	s12 =	sadd.s32 $0x1ABFF0, s1;
	[dreg:$0x1b] =	wrdreg s8;
	s6 =	simm.s32 $0x4200  }
0x17: {  	s15 =	sadd.s32 $0x1CA838, s1;
	s7 =	simm.s32 $0x2400;
	[dreg:$0x1f] =	wrdreg s6  }
0x18: {  	s3 =	sor.u32 s4, s3;
	s8 =	simm.s32 $0x4400;
	[smem:$0x7FC] =	sst s7  }
0x19: {  	s4 =	sadd.s32 s3, s1;
	s2 =	sadd.s32 s2, s3;
	[smem:$0x7FD] =	sst s8  }
0x1a: {  	s3 =	simm.s32 $0xE00;
	s8 =	simm.s32 $0x1;
	[dreg:$0x5] =	wrdreg s2  }
0x1b: {  	s6 =	simm.s32 $0x2;
	s5 =	sadd.s32 $0x1E9200, s4;
	[dreg:$0xb] =	wrdreg s3  }
0x1c: {  	s7 =	simm.s32 $0x800;
	s22 =	sadd.s32 $0x1EA200, s4;
	[dreg:$0x4] =	wrdreg s5  }
0x1d: {  	s4 =	sshrl.u32 s0, $0x1;
	s3 =	simm.s32 $0x3800;
	[dreg:$0x6] =	wrdreg s22  }
0x1e: {  	s5 =	simm.s32 $0x2E00;
	s0 =	ssub.s32 s0, s4;
	[dreg:$0x16] =	wrdreg s3  }
0x1f: {  	s4 =	simm.s32 $0x1A00;
	[dreg:$0xc] =	wrdreg s5;
	s0 =	smax.u32 s0, $0x1  }
0x20: {  	s3 =	simm.s32 $0x3E00;
	[dreg:$0x17] =	wrdreg s4;
	p1 =	sne.s32 s0, $0x1  }
.Ltmp0:
0x21: {  	s5 =	simm.s32 $0x3A00;
	[dreg:$0x1c] =	wrdreg s3;
	(pc) =	sbr.rel @!p1 .LBB2_1-.Ltmp0, $4  }
0x22: {  	s2 =	simm.s32 $0x200;
	s4 =	simm.s32 $0x2000;
	[dreg:$0x18] =	wrdreg s5  }
0x23: {  	s22 =	sadd.s32 $0x99568, s1;
	s3 =	simm.s32 $0x4000;
	[dreg:$0x1d] =	wrdreg s4  }
0x24: {  	s5 =	simm.s32 $0x2200;
	s30 =	sadd.s32 $0xFFFFFFFF, s0;
	s0 =	rddreg [dreg:$0x4]  }
0x25: {  	s4 =	simm.s32 $0x3;
	[dreg:$0x1e] =	wrdreg s5;
	s5 =	simm.s32 $0x2800  }
0x26: {  	[tilespmem:s10], [sflag:$0x3] =	stream.strided.gather [hbm4b:s0+s2], $0x400, s3, s2, $0x38;
	[tilespmem:$0x4800] =	vst v63  }
0x27: {  	_ =	swait.ge [sflag:s4], $0x400  }
0x28: {  	[sflag:s4] =	ssyncset.done $0x0  }
0x29: {  	[sflag:s4] =	ssyncadd.s32 $0xFFFFFC00  }
0x2a: {  	[tilespmem:s28], [sflag:$0x1] =	stream.indirect.gather [hbm4b:s9+s2], $0x1, s10, s2, $0xb8;
	[tilespmem:$0x4800] =	vst v63  }
0x2b: {  	_ = 	snop  }
0x2c: {  	[tilespmem:s29], [sflag:$0x2] =	stream.indirect.gather [hbm4b:s9+s2], $0x1, s2, s2, $0xb8;
	[tilespmem:$0x4800] =	vst v63  }
0x2d: {  	_ =	swait.ge [sflag:s8], $0x200  }
0x2e: {  	[sflag:s8] =	ssyncset.done $0x0  }
0x2f: {  	[sflag:s8] =	ssyncadd.s32 $0xFFFFFE00  }
0x30: {  	_ =	swait.ge [sflag:s6], $0x200  }
0x31: {  	[sflag:s6] =	ssyncset.done $0x0  }
0x32: {  	[sflag:s6] =	ssyncadd.s32 $0xFFFFFE00  }
0x33: {  	[tilespmem:s7], [sflag:$0x1] =	stream.indirect.gather [hbm4b:s17+s2], $0x1, s28, s2, $0xb8;
	[tilespmem:$0x4800] =	vst v63  }
0x34: {  	_ = 	snop  }
0x35: {  	[tilespmem:s5], [sflag:$0x2] =	stream.indirect.gather [hbm4b:s17+s2], $0x1, s29, s2, $0xb8;
	[tilespmem:$0x4800] =	vst v63  }
0x36: {  	s0 =	rddreg [dreg:$0x7]  }
0x37: {  	[tilespmem:s0], [sflag:$0x1] =	stream.indirect.gather [hbm4b:s26+s2], $0x1, s28, s2, $0xb8;
	[tilespmem:$0x4800] =	vst v63  }
0x38: {  	s1 =	rddreg [dreg:$0x8]  }
0x39: {  	[tilespmem:s1], [sflag:$0x2] =	stream.indirect.gather [hbm4b:s26+s2], $0x1, s29, s2, $0xb8;
	[tilespmem:$0x4800] =	vst v63  }
0x3a: {  	s0 =	rddreg [dreg:$0x9]  }
0x3b: {  	[tilespmem:s0], [sflag:$0x1] =	stream.indirect.gather [hbm4b:s25+s2], $0x1, s28, s2, $0xb8;
	[tilespmem:$0x4800] =	vst v63  }
0x3c: {  	s1 =	rddreg [dreg:$0xa]  }
0x3d: {  	[tilespmem:s1], [sflag:$0x2] =	stream.indirect.gather [hbm4b:s25+s2], $0x1, s29, s2, $0xb8;
	[tilespmem:$0x4800] =	vst v63  }
0x3e: {  	s0 =	rddreg [dreg:$0xb]  }
0x3f: {  	[tilespmem:s0], [sflag:$0x1] =	stream.indirect.gather [hbm4b:s24+s2], $0x1, s28, s2, $0xb8;
	[tilespmem:$0x4800] =	vst v63  }
0x40: {  	s1 =	rddreg [dreg:$0xc]  }
0x41: {  	[tilespmem:s1], [sflag:$0x2] =	stream.indirect.gather [hbm4b:s24+s2], $0x1, s29, s2, $0xb8;
	[tilespmem:$0x4800] =	vst v63  }
0x42: {  	s0 =	rddreg [dreg:$0xd]  }
0x43: {  	[tilespmem:s0], [sflag:$0x1] =	stream.indirect.gather [hbm4b:s23+s2], $0x1, s28, s2, $0xb8;
	[tilespmem:$0x4800] =	vst v63  }
0x44: {  	s1 =	rddreg [dreg:$0xe]  }
0x45: {  	[tilespmem:s1], [sflag:$0x2] =	stream.indirect.gather [hbm4b:s23+s2], $0x1, s29, s2, $0xb8;
	[tilespmem:$0x4800] =	vst v63  }
0x46: {  	s0 =	rddreg [dreg:$0xf]  }
0x47: {  	[tilespmem:s0], [sflag:$0x1] =	stream.indirect.gather [hbm4b:s22+s2], $0x1, s28, s2, $0xb8;
	[tilespmem:$0x4800] =	vst v63  }
0x48: {  	s1 =	rddreg [dreg:$0x10]  }
0x49: {  	[tilespmem:s1], [sflag:$0x2] =	stream.indirect.gather [hbm4b:s22+s2], $0x1, s29, s2, $0xb8;
	[tilespmem:$0x4800] =	vst v63  }
0x4a: {  	s0 =	rddreg [dreg:$0x11]  }
0x4b: {  	[tilespmem:s0], [sflag:$0x1] =	stream.indirect.gather [hbm4b:s21+s2], $0x1, s28, s2, $0xb8;
	[tilespmem:$0x4800] =	vst v63  }
0x4c: {  	s1 =	rddreg [dreg:$0x12]  }
0x4d: {  	[tilespmem:s1], [sflag:$0x2] =	stream.indirect.gather [hbm4b:s21+s2], $0x1, s29, s2, $0xb8;
	[tilespmem:$0x4800] =	vst v63  }
0x4e: {  	s0 =	rddreg [dreg:$0x13]  }
0x4f: {  	[tilespmem:s0], [sflag:$0x1] =	stream.indirect.gather [hbm4b:s20+s2], $0x1, s28, s2, $0xb8;
	[tilespmem:$0x4800] =	vst v63  }
0x50: {  	s1 =	rddreg [dreg:$0x14]  }
0x51: {  	[tilespmem:s1], [sflag:$0x2] =	stream.indirect.gather [hbm4b:s20+s2], $0x1, s29, s2, $0xb8;
	[tilespmem:$0x4800] =	vst v63  }
0x52: {  	s0 =	rddreg [dreg:$0x15]  }
0x53: {  	[tilespmem:s0], [sflag:$0x1] =	stream.indirect.gather [hbm4b:s19+s2], $0x1, s28, s2, $0xb8;
	[tilespmem:$0x4800] =	vst v63  }
0x54: {  	s1 =	rddreg [dreg:$0x16]  }
0x55: {  	[tilespmem:s1], [sflag:$0x2] =	stream.indirect.gather [hbm4b:s19+s2], $0x1, s29, s2, $0xb8;
	[tilespmem:$0x4800] =	vst v63  }
0x56: {  	s0 =	rddreg [dreg:$0x17]  }
0x57: {  	[tilespmem:s0], [sflag:$0x1] =	stream.indirect.gather [hbm4b:s18+s2], $0x1, s28, s2, $0xb8;
	[tilespmem:$0x4800] =	vst v63  }
0x58: {  	s1 =	rddreg [dreg:$0x18]  }
0x59: {  	[tilespmem:s1], [sflag:$0x2] =	stream.indirect.gather [hbm4b:s18+s2], $0x1, s29, s2, $0xb8;
	[tilespmem:$0x4800] =	vst v63  }
0x5a: {  	s0 =	rddreg [dreg:$0x19]  }
0x5b: {  	[tilespmem:s0], [sflag:$0x1] =	stream.indirect.gather [hbm4b:s16+s2], $0x1, s28, s2, $0xb8;
	[tilespmem:$0x4800] =	vst v63  }
0x5c: {  	s1 =	rddreg [dreg:$0x1a]  }
0x5d: {  	[tilespmem:s1], [sflag:$0x2] =	stream.indirect.gather [hbm4b:s16+s2], $0x1, s29, s2, $0xb8;
	[tilespmem:$0x4800] =	vst v63  }
0x5e: {  	s0 =	rddreg [dreg:$0x1b]  }
0x5f: {  	[tilespmem:s0], [sflag:$0x1] =	stream.indirect.gather [hbm4b:s13+s2], $0x1, s28, s2, $0xb8;
	[tilespmem:$0x4800] =	vst v63  }
0x60: {  	s1 =	rddreg [dreg:$0x1c]  }
0x61: {  	[tilespmem:s1], [sflag:$0x2] =	stream.indirect.gather [hbm4b:s13+s2], $0x1, s29, s2, $0xb8;
	[tilespmem:$0x4800] =	vst v63  }
0x62: {  	s0 =	rddreg [dreg:$0x1d]  }
0x63: {  	[tilespmem:s0], [sflag:$0x1] =	stream.indirect.gather [hbm4b:s14+s2], $0x1, s28, s2, $0xb8;
	[tilespmem:$0x4800] =	vst v63  }
0x64: {  	s1 =	rddreg [dreg:$0x1f]  }
0x65: {  	[tilespmem:s3], [sflag:$0x2] =	stream.indirect.gather [hbm4b:s14+s2], $0x1, s29, s2, $0xb8;
	[tilespmem:$0x4800] =	vst v63  }
0x66: {  	s0 =	rddreg [dreg:$0x1e]  }
0x67: {  	[tilespmem:s0], [sflag:$0x1] =	stream.indirect.gather [hbm4b:s11+s2], $0x1, s28, s2, $0xb8;
	[tilespmem:$0x4800] =	vst v63  }
0x68: {  	s0 =	sld [smem:$0x7FC]  }
0x69: {  	[tilespmem:s1], [sflag:$0x2] =	stream.indirect.gather [hbm4b:s11+s2], $0x1, s29, s2, $0xb8;
	[tilespmem:$0x4800] =	vst v63  }
0x6a: {  	s1 =	sld [smem:$0x7FD]  }
0x6b: {  	[tilespmem:s0], [sflag:$0x1] =	stream.indirect.gather [hbm4b:s12+s2], $0x1, s28, s2, $0xb8;
	[tilespmem:$0x4800] =	vst v63  }
0x6c: {  	_ = 	snop  }
0x6d: {  	[tilespmem:s1], [sflag:$0x2] =	stream.indirect.gather [hbm4b:s12+s2], $0x1, s29, s2, $0xb8;
	[tilespmem:$0x4800] =	vst v63  }
0x6e: {  	s1 =	simm.s32 $0x2600  }
0x6f: {  	[tilespmem:s1], [sflag:$0x1] =	stream.indirect.gather [hbm4b:s15+s2], $0x1, s28, s2, $0xb8;
	[tilespmem:$0x4800] =	vst v63  }
0x70: {  	_ = 	snop  }
0x71: {  	[tilespmem:s31], [sflag:$0x2] =	stream.indirect.gather [hbm4b:s15+s2], $0x1, s29, s2, $0xb8;
	[tilespmem:$0x4800] =	vst v63  }
0x72: {  	_ =	swait.ge [sflag:s8], $0x200  }
0x73: {  	[sflag:s8] =	ssyncset.done $0x0  }
0x74: {  	[sflag:s8] =	ssyncadd.s32 $0xFFFFFE00  }
0x75: {  	_ =	swait.ge [sflag:s6], $0x200  }
0x76: {  	[sflag:s6] =	ssyncset.done $0x0  }
0x77: {  	[sflag:s6] =	ssyncadd.s32 $0xFFFFFE00  }
0x78: {  	_ =	swait.ge [sflag:s8], $0x200  }
0x79: {  	[sflag:s8] =	ssyncset.done $0x0  }
0x7a: {  	[sflag:s8] =	ssyncadd.s32 $0xFFFFFE00  }
0x7b: {  	_ =	swait.ge [sflag:s6], $0x200  }
0x7c: {  	[sflag:s6] =	ssyncset.done $0x0  }
0x7d: {  	[sflag:s6] =	ssyncadd.s32 $0xFFFFFE00  }
0x7e: {  	_ =	swait.ge [sflag:s8], $0x200  }
0x7f: {  	[sflag:s8] =	ssyncset.done $0x0  }
0x80: {  	[sflag:s8] =	ssyncadd.s32 $0xFFFFFE00  }
0x81: {  	_ =	swait.ge [sflag:s6], $0x200  }
0x82: {  	[sflag:s6] =	ssyncset.done $0x0  }
0x83: {  	[sflag:s6] =	ssyncadd.s32 $0xFFFFFE00  }
0x84: {  	_ =	swait.ge [sflag:s8], $0x200  }
0x85: {  	[sflag:s8] =	ssyncset.done $0x0  }
0x86: {  	[sflag:s8] =	ssyncadd.s32 $0xFFFFFE00  }
0x87: {  	_ =	swait.ge [sflag:s6], $0x200  }
0x88: {  	[sflag:s6] =	ssyncset.done $0x0  }
0x89: {  	[sflag:s6] =	ssyncadd.s32 $0xFFFFFE00  }
0x8a: {  	_ =	swait.ge [sflag:s8], $0x200  }
0x8b: {  	[sflag:s8] =	ssyncset.done $0x0  }
0x8c: {  	[sflag:s8] =	ssyncadd.s32 $0xFFFFFE00  }
0x8d: {  	_ =	swait.ge [sflag:s6], $0x200  }
0x8e: {  	[sflag:s6] =	ssyncset.done $0x0  }
0x8f: {  	[sflag:s6] =	ssyncadd.s32 $0xFFFFFE00  }
0x90: {  	_ =	swait.ge [sflag:s8], $0x200  }
0x91: {  	[sflag:s8] =	ssyncset.done $0x0  }
0x92: {  	[sflag:s8] =	ssyncadd.s32 $0xFFFFFE00  }
0x93: {  	_ =	swait.ge [sflag:s6], $0x200  }
0x94: {  	[sflag:s6] =	ssyncset.done $0x0  }
0x95: {  	[sflag:s6] =	ssyncadd.s32 $0xFFFFFE00  }
0x96: {  	_ =	swait.ge [sflag:s8], $0x200  }
0x97: {  	[sflag:s8] =	ssyncset.done $0x0  }
0x98: {  	[sflag:s8] =	ssyncadd.s32 $0xFFFFFE00  }
0x99: {  	_ =	swait.ge [sflag:s6], $0x200  }
0x9a: {  	[sflag:s6] =	ssyncset.done $0x0  }
0x9b: {  	[sflag:s6] =	ssyncadd.s32 $0xFFFFFE00  }
0x9c: {  	_ =	swait.ge [sflag:s8], $0x200  }
0x9d: {  	[sflag:s8] =	ssyncset.done $0x0  }
0x9e: {  	[sflag:s8] =	ssyncadd.s32 $0xFFFFFE00  }
0x9f: {  	_ =	swait.ge [sflag:s6], $0x200  }
0xa0: {  	[sflag:s6] =	ssyncset.done $0x0  }
0xa1: {  	[sflag:s6] =	ssyncadd.s32 $0xFFFFFE00  }
0xa2: {  	_ =	swait.ge [sflag:s8], $0x200  }
0xa3: {  	[sflag:s8] =	ssyncset.done $0x0  }
0xa4: {  	[sflag:s8] =	ssyncadd.s32 $0xFFFFFE00  }
0xa5: {  	_ =	swait.ge [sflag:s6], $0x200  }
0xa6: {  	[sflag:s6] =	ssyncset.done $0x0  }
0xa7: {  	[sflag:s6] =	ssyncadd.s32 $0xFFFFFE00  }
0xa8: {  	_ =	swait.ge [sflag:s8], $0x200  }
0xa9: {  	[sflag:s8] =	ssyncset.done $0x0  }
0xaa: {  	[sflag:s8] =	ssyncadd.s32 $0xFFFFFE00  }
0xab: {  	_ =	swait.ge [sflag:s6], $0x200  }
0xac: {  	[sflag:s6] =	ssyncset.done $0x0  }
0xad: {  	[sflag:s6] =	ssyncadd.s32 $0xFFFFFE00  }
0xae: {  	_ =	swait.ge [sflag:s8], $0x200  }
0xaf: {  	[sflag:s8] =	ssyncset.done $0x0  }
0xb0: {  	[sflag:s8] =	ssyncadd.s32 $0xFFFFFE00  }
0xb1: {  	_ =	swait.ge [sflag:s6], $0x200  }
0xb2: {  	[sflag:s6] =	ssyncset.done $0x0  }
0xb3: {  	[sflag:s6] =	ssyncadd.s32 $0xFFFFFE00  }
0xb4: {  	_ =	swait.ge [sflag:s8], $0x200  }
0xb5: {  	[sflag:s8] =	ssyncset.done $0x0  }
0xb6: {  	[sflag:s8] =	ssyncadd.s32 $0xFFFFFE00  }
0xb7: {  	_ =	swait.ge [sflag:s6], $0x200  }
0xb8: {  	[sflag:s6] =	ssyncset.done $0x0  }
0xb9: {  	[sflag:s6] =	ssyncadd.s32 $0xFFFFFE00  }
0xba: {  	_ =	swait.ge [sflag:s8], $0x200  }
0xbb: {  	[sflag:s8] =	ssyncset.done $0x0  }
0xbc: {  	[sflag:s8] =	ssyncadd.s32 $0xFFFFFE00  }
0xbd: {  	_ =	swait.ge [sflag:s6], $0x200  }
0xbe: {  	[sflag:s6] =	ssyncset.done $0x0  }
0xbf: {  	[sflag:s6] =	ssyncadd.s32 $0xFFFFFE00  }
0xc0: {  	_ =	swait.ge [sflag:s8], $0x200  }
0xc1: {  	[sflag:s8] =	ssyncset.done $0x0  }
0xc2: {  	[sflag:s8] =	ssyncadd.s32 $0xFFFFFE00  }
0xc3: {  	_ =	swait.ge [sflag:s6], $0x200  }
0xc4: {  	[sflag:s6] =	ssyncset.done $0x0  }
0xc5: {  	[sflag:s6] =	ssyncadd.s32 $0xFFFFFE00  }
0xc6: {  	_ =	swait.ge [sflag:s8], $0x200  }
0xc7: {  	[sflag:s8] =	ssyncset.done $0x0  }
0xc8: {  	[sflag:s8] =	ssyncadd.s32 $0xFFFFFE00  }
0xc9: {  	_ =	swait.ge [sflag:s6], $0x200  }
0xca: {  	[sflag:s6] =	ssyncset.done $0x0  }
0xcb: {  	[sflag:s6] =	ssyncadd.s32 $0xFFFFFE00  }
0xcc: {  	_ =	swait.ge [sflag:s8], $0x200  }
0xcd: {  	[sflag:s8] =	ssyncset.done $0x0  }
0xce: {  	[sflag:s8] =	ssyncadd.s32 $0xFFFFFE00  }
0xcf: {  	_ =	swait.ge [sflag:s6], $0x200  }
0xd0: {  	[sflag:s6] =	ssyncset.done $0x0  }
0xd1: {  	s1 =	rddreg [dreg:$0x5];
	[sflag:s6] =	ssyncadd.s32 $0xFFFFFE00  }
0xd2: {  	[hbm4b:s1+s2] =	stream.strided.scatter [tilespmem:s7], [sflag:$0x3], $0x2000, s3, s2, $0x38;
	[tilespmem:$0x4800] =	vst v63  }
0xd3: {  	p1 =	sne.s32 s30, $0x1;
	_ =	swait.ge [sflag:s4], $0x2000  }
.Ltmp1:
0xd4: {  	[sflag:s4] =	ssyncset.done $0x0;
	(pc) =	sbr.rel @!p1 .LBB2_3-.Ltmp1, $4  }
0xd5: {  	s1 =	rddreg [dreg:$0x6];
	[sflag:s4] =	ssyncadd.s32 $0xFFFFE000  }
0xd6: {  	[hbm4b:s1+s2] =	stream.strided.scatter [tilespmem:s5], [sflag:$0x3], $0x2000, s3, s2, $0x38;
	[tilespmem:$0x4800] =	vst v63  }
0xd7: {  	p0 =	por $0x1, $0x1;
	_ =	swait.ge [sflag:s4], $0x2000  }
0xd8: {  	s1 =	sadd.s32 $0xFFFFFFFF, s30;
	s0 =	rddreg [dreg:$0x4];
	[sflag:s4] =	ssyncset.done $0x0  }
.LBB2_4:
0xd9: {  	[sflag:s4] =	ssyncadd.s32 $0xFFFFE000  }
0xda: {  	[tilespmem:s10], [sflag:$0x3] =	stream.strided.gather [hbm4b:s0+s2], $0x400, s3, s2, $0x38;
	[tilespmem:$0x4800] =	vst v63  }
0xdb: {  	_ =	swait.ge [sflag:s4], $0x400  }
0xdc: {  	[sflag:s4] =	ssyncset.done $0x0  }
0xdd: {  	[sflag:s4] =	ssyncadd.s32 $0xFFFFFC00  }
0xde: {  	[tilespmem:s28], [sflag:$0x1] =	stream.indirect.gather [hbm4b:s9+s2], $0x1, s10, s2, $0xb8;
	[tilespmem:$0x4800] =	vst v63  }
0xdf: {  	_ = 	snop  }
0xe0: {  	[tilespmem:s29], [sflag:$0x2] =	stream.indirect.gather [hbm4b:s9+s2], $0x1, s2, s2, $0xb8;
	[tilespmem:$0x4800] =	vst v63  }
0xe1: {  	_ =	swait.ge [sflag:s8], $0x200  }
0xe2: {  	[sflag:s8] =	ssyncset.done $0x0  }
0xe3: {  	[sflag:s8] =	ssyncadd.s32 $0xFFFFFE00  }
0xe4: {  	_ =	swait.ge [sflag:s6], $0x200  }
0xe5: {  	[sflag:s6] =	ssyncset.done $0x0  }
0xe6: {  	[sflag:s6] =	ssyncadd.s32 $0xFFFFFE00  }
0xe7: {  	[tilespmem:s7], [sflag:$0x1] =	stream.indirect.gather [hbm4b:s17+s2], $0x1, s28, s2, $0xb8;
	[tilespmem:$0x4800] =	vst v63  }
0xe8: {  	_ = 	snop  }
0xe9: {  	[tilespmem:s5], [sflag:$0x2] =	stream.indirect.gather [hbm4b:s17+s2], $0x1, s29, s2, $0xb8;
	[tilespmem:$0x4800] =	vst v63  }
0xea: {  	s0 =	rddreg [dreg:$0x7]  }
0xeb: {  	[tilespmem:s0], [sflag:$0x1] =	stream.indirect.gather [hbm4b:s26+s2], $0x1, s28, s2, $0xb8;
	[tilespmem:$0x4800] =	vst v63  }
0xec: {  	s30 =	rddreg [dreg:$0x8]  }
0xed: {  	[tilespmem:s30], [sflag:$0x2] =	stream.indirect.gather [hbm4b:s26+s2], $0x1, s29, s2, $0xb8;
	[tilespmem:$0x4800] =	vst v63  }
0xee: {  	s0 =	rddreg [dreg:$0x9]  }
0xef: {  	[tilespmem:s0], [sflag:$0x1] =	stream.indirect.gather [hbm4b:s25+s2], $0x1, s28, s2, $0xb8;
	[tilespmem:$0x4800] =	vst v63  }
0xf0: {  	s30 =	rddreg [dreg:$0xa]  }
0xf1: {  	[tilespmem:s30], [sflag:$0x2] =	stream.indirect.gather [hbm4b:s25+s2], $0x1, s29, s2, $0xb8;
	[tilespmem:$0x4800] =	vst v63  }
0xf2: {  	s0 =	rddreg [dreg:$0xb]  }
0xf3: {  	[tilespmem:s0], [sflag:$0x1] =	stream.indirect.gather [hbm4b:s24+s2], $0x1, s28, s2, $0xb8;
	[tilespmem:$0x4800] =	vst v63  }
0xf4: {  	s30 =	rddreg [dreg:$0xc]  }
0xf5: {  	[tilespmem:s30], [sflag:$0x2] =	stream.indirect.gather [hbm4b:s24+s2], $0x1, s29, s2, $0xb8;
	[tilespmem:$0x4800] =	vst v63  }
0xf6: {  	s0 =	rddreg [dreg:$0xd]  }
0xf7: {  	[tilespmem:s0], [sflag:$0x1] =	stream.indirect.gather [hbm4b:s23+s2], $0x1, s28, s2, $0xb8;
	[tilespmem:$0x4800] =	vst v63  }
0xf8: {  	s30 =	rddreg [dreg:$0xe]  }
0xf9: {  	[tilespmem:s30], [sflag:$0x2] =	stream.indirect.gather [hbm4b:s23+s2], $0x1, s29, s2, $0xb8;
	[tilespmem:$0x4800] =	vst v63  }
0xfa: {  	s0 =	rddreg [dreg:$0xf]  }
0xfb: {  	[tilespmem:s0], [sflag:$0x1] =	stream.indirect.gather [hbm4b:s22+s2], $0x1, s28, s2, $0xb8;
	[tilespmem:$0x4800] =	vst v63  }
0xfc: {  	s30 =	rddreg [dreg:$0x10]  }
0xfd: {  	[tilespmem:s30], [sflag:$0x2] =	stream.indirect.gather [hbm4b:s22+s2], $0x1, s29, s2, $0xb8;
	[tilespmem:$0x4800] =	vst v63  }
0xfe: {  	s0 =	rddreg [dreg:$0x11]  }
0xff: {  	[tilespmem:s0], [sflag:$0x1] =	stream.indirect.gather [hbm4b:s21+s2], $0x1, s28, s2, $0xb8;
	[tilespmem:$0x4800] =	vst v63  }
0x100: {  	s30 =	rddreg [dreg:$0x12]  }
0x101: {  	[tilespmem:s30], [sflag:$0x2] =	stream.indirect.gather [hbm4b:s21+s2], $0x1, s29, s2, $0xb8;
	[tilespmem:$0x4800] =	vst v63  }
0x102: {  	s0 =	rddreg [dreg:$0x13]  }
0x103: {  	[tilespmem:s0], [sflag:$0x1] =	stream.indirect.gather [hbm4b:s20+s2], $0x1, s28, s2, $0xb8;
	[tilespmem:$0x4800] =	vst v63  }
0x104: {  	s30 =	rddreg [dreg:$0x14]  }
0x105: {  	[tilespmem:s30], [sflag:$0x2] =	stream.indirect.gather [hbm4b:s20+s2], $0x1, s29, s2, $0xb8;
	[tilespmem:$0x4800] =	vst v63  }
0x106: {  	s0 =	rddreg [dreg:$0x15]  }
0x107: {  	[tilespmem:s0], [sflag:$0x1] =	stream.indirect.gather [hbm4b:s19+s2], $0x1, s28, s2, $0xb8;
	[tilespmem:$0x4800] =	vst v63  }
0x108: {  	s30 =	rddreg [dreg:$0x16]  }
0x109: {  	[tilespmem:s30], [sflag:$0x2] =	stream.indirect.gather [hbm4b:s19+s2], $0x1, s29, s2, $0xb8;
	[tilespmem:$0x4800] =	vst v63  }
0x10a: {  	s0 =	rddreg [dreg:$0x17]  }
0x10b: {  	[tilespmem:s0], [sflag:$0x1] =	stream.indirect.gather [hbm4b:s18+s2], $0x1, s28, s2, $0xb8;
	[tilespmem:$0x4800] =	vst v63  }
0x10c: {  	s30 =	rddreg [dreg:$0x18]  }
0x10d: {  	[tilespmem:s30], [sflag:$0x2] =	stream.indirect.gather [hbm4b:s18+s2], $0x1, s29, s2, $0xb8;
	[tilespmem:$0x4800] =	vst v63  }
0x10e: {  	s0 =	rddreg [dreg:$0x19]  }
0x10f: {  	[tilespmem:s0], [sflag:$0x1] =	stream.indirect.gather [hbm4b:s16+s2], $0x1, s28, s2, $0xb8;
	[tilespmem:$0x4800] =	vst v63  }
0x110: {  	s30 =	rddreg [dreg:$0x1a]  }
0x111: {  	[tilespmem:s30], [sflag:$0x2] =	stream.indirect.gather [hbm4b:s16+s2], $0x1, s29, s2, $0xb8;
	[tilespmem:$0x4800] =	vst v63  }
0x112: {  	s0 =	rddreg [dreg:$0x1b]  }
0x113: {  	[tilespmem:s0], [sflag:$0x1] =	stream.indirect.gather [hbm4b:s13+s2], $0x1, s28, s2, $0xb8;
	[tilespmem:$0x4800] =	vst v63  }
0x114: {  	s30 =	rddreg [dreg:$0x1c]  }
0x115: {  	[tilespmem:s30], [sflag:$0x2] =	stream.indirect.gather [hbm4b:s13+s2], $0x1, s29, s2, $0xb8;
	[tilespmem:$0x4800] =	vst v63  }
0x116: {  	s0 =	rddreg [dreg:$0x1d]  }
0x117: {  	[tilespmem:s0], [sflag:$0x1] =	stream.indirect.gather [hbm4b:s14+s2], $0x1, s28, s2, $0xb8;
	[tilespmem:$0x4800] =	vst v63  }
0x118: {  	s30 =	rddreg [dreg:$0x1f]  }
0x119: {  	[tilespmem:s3], [sflag:$0x2] =	stream.indirect.gather [hbm4b:s14+s2], $0x1, s29, s2, $0xb8;
	[tilespmem:$0x4800] =	vst v63  }
0x11a: {  	s0 =	rddreg [dreg:$0x1e]  }
0x11b: {  	[tilespmem:s0], [sflag:$0x1] =	stream.indirect.gather [hbm4b:s11+s2], $0x1, s28, s2, $0xb8;
	[tilespmem:$0x4800] =	vst v63  }
0x11c: {  	s0 =	sld [smem:$0x7FC]  }
0x11d: {  	[tilespmem:s30], [sflag:$0x2] =	stream.indirect.gather [hbm4b:s11+s2], $0x1, s29, s2, $0xb8;
	[tilespmem:$0x4800] =	vst v63  }
0x11e: {  	s30 =	sld [smem:$0x7FD]  }
0x11f: {  	[tilespmem:s0], [sflag:$0x1] =	stream.indirect.gather [hbm4b:s12+s2], $0x1, s28, s2, $0xb8;
	[tilespmem:$0x4800] =	vst v63  }
0x120: {  	_ = 	snop  }
0x121: {  	[tilespmem:s30], [sflag:$0x2] =	stream.indirect.gather [hbm4b:s12+s2], $0x1, s29, s2, $0xb8;
	[tilespmem:$0x4800] =	vst v63  }
0x122: {  	s30 =	simm.s32 $0x2600  }
0x123: {  	[tilespmem:s30], [sflag:$0x1] =	stream.indirect.gather [hbm4b:s15+s2], $0x1, s28, s2, $0xb8;
	[tilespmem:$0x4800] =	vst v63  }
0x124: {  	_ = 	snop  }
0x125: {  	[tilespmem:s31], [sflag:$0x2] =	stream.indirect.gather [hbm4b:s15+s2], $0x1, s29, s2, $0xb8;
	[tilespmem:$0x4800] =	vst v63  }
0x126: {  	_ =	swait.ge [sflag:s8], $0x200  }
0x127: {  	[sflag:s8] =	ssyncset.done $0x0  }
0x128: {  	[sflag:s8] =	ssyncadd.s32 $0xFFFFFE00  }
0x129: {  	_ =	swait.ge [sflag:s6], $0x200  }
0x12a: {  	[sflag:s6] =	ssyncset.done $0x0  }
0x12b: {  	[sflag:s6] =	ssyncadd.s32 $0xFFFFFE00  }
0x12c: {  	_ =	swait.ge [sflag:s8], $0x200  }
0x12d: {  	[sflag:s8] =	ssyncset.done $0x0  }
0x12e: {  	[sflag:s8] =	ssyncadd.s32 $0xFFFFFE00  }
0x12f: {  	_ =	swait.ge [sflag:s6], $0x200  }
0x130: {  	[sflag:s6] =	ssyncset.done $0x0  }
0x131: {  	[sflag:s6] =	ssyncadd.s32 $0xFFFFFE00  }
0x132: {  	_ =	swait.ge [sflag:s8], $0x200  }
0x133: {  	[sflag:s8] =	ssyncset.done $0x0  }
0x134: {  	[sflag:s8] =	ssyncadd.s32 $0xFFFFFE00  }
0x135: {  	_ =	swait.ge [sflag:s6], $0x200  }
0x136: {  	[sflag:s6] =	ssyncset.done $0x0  }
0x137: {  	[sflag:s6] =	ssyncadd.s32 $0xFFFFFE00  }
0x138: {  	_ =	swait.ge [sflag:s8], $0x200  }
0x139: {  	[sflag:s8] =	ssyncset.done $0x0  }
0x13a: {  	[sflag:s8] =	ssyncadd.s32 $0xFFFFFE00  }
0x13b: {  	_ =	swait.ge [sflag:s6], $0x200  }
0x13c: {  	[sflag:s6] =	ssyncset.done $0x0  }
0x13d: {  	[sflag:s6] =	ssyncadd.s32 $0xFFFFFE00  }
0x13e: {  	_ =	swait.ge [sflag:s8], $0x200  }
0x13f: {  	[sflag:s8] =	ssyncset.done $0x0  }
0x140: {  	[sflag:s8] =	ssyncadd.s32 $0xFFFFFE00  }
0x141: {  	_ =	swait.ge [sflag:s6], $0x200  }
0x142: {  	[sflag:s6] =	ssyncset.done $0x0  }
0x143: {  	[sflag:s6] =	ssyncadd.s32 $0xFFFFFE00  }
0x144: {  	_ =	swait.ge [sflag:s8], $0x200  }
0x145: {  	[sflag:s8] =	ssyncset.done $0x0  }
0x146: {  	[sflag:s8] =	ssyncadd.s32 $0xFFFFFE00  }
0x147: {  	_ =	swait.ge [sflag:s6], $0x200  }
0x148: {  	[sflag:s6] =	ssyncset.done $0x0  }
0x149: {  	[sflag:s6] =	ssyncadd.s32 $0xFFFFFE00  }
0x14a: {  	_ =	swait.ge [sflag:s8], $0x200  }
0x14b: {  	[sflag:s8] =	ssyncset.done $0x0  }
0x14c: {  	[sflag:s8] =	ssyncadd.s32 $0xFFFFFE00  }
0x14d: {  	_ =	swait.ge [sflag:s6], $0x200  }
0x14e: {  	[sflag:s6] =	ssyncset.done $0x0  }
0x14f: {  	[sflag:s6] =	ssyncadd.s32 $0xFFFFFE00  }
0x150: {  	_ =	swait.ge [sflag:s8], $0x200  }
0x151: {  	[sflag:s8] =	ssyncset.done $0x0  }
0x152: {  	[sflag:s8] =	ssyncadd.s32 $0xFFFFFE00  }
0x153: {  	_ =	swait.ge [sflag:s6], $0x200  }
0x154: {  	[sflag:s6] =	ssyncset.done $0x0  }
0x155: {  	[sflag:s6] =	ssyncadd.s32 $0xFFFFFE00  }
0x156: {  	_ =	swait.ge [sflag:s8], $0x200  }
0x157: {  	[sflag:s8] =	ssyncset.done $0x0  }
0x158: {  	[sflag:s8] =	ssyncadd.s32 $0xFFFFFE00  }
0x159: {  	_ =	swait.ge [sflag:s6], $0x200  }
0x15a: {  	[sflag:s6] =	ssyncset.done $0x0  }
0x15b: {  	[sflag:s6] =	ssyncadd.s32 $0xFFFFFE00  }
0x15c: {  	_ =	swait.ge [sflag:s8], $0x200  }
0x15d: {  	[sflag:s8] =	ssyncset.done $0x0  }
0x15e: {  	[sflag:s8] =	ssyncadd.s32 $0xFFFFFE00  }
0x15f: {  	_ =	swait.ge [sflag:s6], $0x200  }
0x160: {  	[sflag:s6] =	ssyncset.done $0x0  }
0x161: {  	[sflag:s6] =	ssyncadd.s32 $0xFFFFFE00  }
0x162: {  	_ =	swait.ge [sflag:s8], $0x200  }
0x163: {  	[sflag:s8] =	ssyncset.done $0x0  }
0x164: {  	[sflag:s8] =	ssyncadd.s32 $0xFFFFFE00  }
0x165: {  	_ =	swait.ge [sflag:s6], $0x200  }
0x166: {  	[sflag:s6] =	ssyncset.done $0x0  }
0x167: {  	[sflag:s6] =	ssyncadd.s32 $0xFFFFFE00  }
0x168: {  	_ =	swait.ge [sflag:s8], $0x200  }
0x169: {  	[sflag:s8] =	ssyncset.done $0x0  }
0x16a: {  	[sflag:s8] =	ssyncadd.s32 $0xFFFFFE00  }
0x16b: {  	_ =	swait.ge [sflag:s6], $0x200  }
0x16c: {  	[sflag:s6] =	ssyncset.done $0x0  }
0x16d: {  	[sflag:s6] =	ssyncadd.s32 $0xFFFFFE00  }
0x16e: {  	_ =	swait.ge [sflag:s8], $0x200  }
0x16f: {  	[sflag:s8] =	ssyncset.done $0x0  }
0x170: {  	[sflag:s8] =	ssyncadd.s32 $0xFFFFFE00  }
0x171: {  	_ =	swait.ge [sflag:s6], $0x200  }
0x172: {  	[sflag:s6] =	ssyncset.done $0x0  }
0x173: {  	[sflag:s6] =	ssyncadd.s32 $0xFFFFFE00  }
0x174: {  	_ =	swait.ge [sflag:s8], $0x200  }
0x175: {  	[sflag:s8] =	ssyncset.done $0x0  }
0x176: {  	[sflag:s8] =	ssyncadd.s32 $0xFFFFFE00  }
0x177: {  	_ =	swait.ge [sflag:s6], $0x200  }
0x178: {  	[sflag:s6] =	ssyncset.done $0x0  }
0x179: {  	[sflag:s6] =	ssyncadd.s32 $0xFFFFFE00  }
0x17a: {  	_ =	swait.ge [sflag:s8], $0x200  }
0x17b: {  	[sflag:s8] =	ssyncset.done $0x0  }
0x17c: {  	[sflag:s8] =	ssyncadd.s32 $0xFFFFFE00  }
0x17d: {  	_ =	swait.ge [sflag:s6], $0x200  }
0x17e: {  	[sflag:s6] =	ssyncset.done $0x0  }
0x17f: {  	[sflag:s6] =	ssyncadd.s32 $0xFFFFFE00  }
0x180: {  	_ =	swait.ge [sflag:s8], $0x200  }
0x181: {  	[sflag:s8] =	ssyncset.done $0x0  }
0x182: {  	[sflag:s8] =	ssyncadd.s32 $0xFFFFFE00  }
0x183: {  	_ =	swait.ge [sflag:s6], $0x200  }
0x184: {  	[sflag:s6] =	ssyncset.done $0x0  }
0x185: {  	s30 =	rddreg [dreg:$0x5];
	[sflag:s6] =	ssyncadd.s32 $0xFFFFFE00  }
0x186: {  	[hbm4b:s30+s2] =	stream.strided.scatter [tilespmem:s7], [sflag:$0x3], $0x2000, s3, s2, $0x38;
	[tilespmem:$0x4800] =	vst v63  }
0x187: {  	p1 =	sne.s32 s1, $0x1;
	_ =	swait.ge [sflag:s4], $0x2000  }
.Ltmp2:
0x188: {  	[sflag:s4] =	ssyncset.done $0x0;
	(pc) =	sbr.rel @p1 .LBB2_4-.Ltmp2, $4  }
0x189: {  	s30 =	rddreg [dreg:$0x6];
	[sflag:s4] =	ssyncadd.s32 $0xFFFFE000  }
0x18a: {  	[hbm4b:s30+s2] =	stream.strided.scatter [tilespmem:s5], [sflag:$0x3], $0x2000, s3, s2, $0x38;
	[tilespmem:$0x4800] =	vst v63  }
0x18b: {  	_ =	swait.ge [sflag:s4], $0x2000  }
0x18c: {  	s1 =	sadd.s32 $0xFFFFFFFF, s1;
	s0 =	rddreg [dreg:$0x4];
	[sflag:s4] =	ssyncset.done $0x0  }
0x18d: {  	s30 =	simm.s32 $0x4600;
	s31 =	simm.s32 $0x2600  }
.LBB2_6:
0x18e: {  	[sflag:s4] =	ssyncadd.s32 @p0 $0xFFFFE000  }
0x18f: {  	[tilespmem:s10], [sflag:$0x3] =	stream.strided.gather [hbm4b:s0+s2], $0x400, s3, s2, $0x38;
	[tilespmem:$0x4800] =	vst v63  }
0x190: {  	_ =	swait.ge [sflag:s4], $0x400  }
0x191: {  	[sflag:s4] =	ssyncset.done $0x0  }
0x192: {  	[sflag:s4] =	ssyncadd.s32 $0xFFFFFC00  }
0x193: {  	[tilespmem:s28], [sflag:$0x1] =	stream.indirect.gather [hbm4b:s9+s2], $0x1, s10, s2, $0xb8;
	[tilespmem:$0x4800] =	vst v63  }
0x194: {  	_ = 	snop  }
0x195: {  	[tilespmem:s29], [sflag:$0x2] =	stream.indirect.gather [hbm4b:s9+s2], $0x1, s2, s2, $0xb8;
	[tilespmem:$0x4800] =	vst v63  }
0x196: {  	_ =	swait.ge [sflag:s8], $0x200  }
0x197: {  	[sflag:s8] =	ssyncset.done $0x0  }
0x198: {  	[sflag:s8] =	ssyncadd.s32 $0xFFFFFE00  }
0x199: {  	_ =	swait.ge [sflag:s6], $0x200  }
0x19a: {  	[sflag:s6] =	ssyncset.done $0x0  }
0x19b: {  	[sflag:s6] =	ssyncadd.s32 $0xFFFFFE00  }
0x19c: {  	[tilespmem:s7], [sflag:$0x1] =	stream.indirect.gather [hbm4b:s17+s2], $0x1, s28, s2, $0xb8;
	[tilespmem:$0x4800] =	vst v63  }
0x19d: {  	_ = 	snop  }
0x19e: {  	[tilespmem:s5], [sflag:$0x2] =	stream.indirect.gather [hbm4b:s17+s2], $0x1, s29, s2, $0xb8;
	[tilespmem:$0x4800] =	vst v63  }
0x19f: {  	s10 =	rddreg [dreg:$0x7]  }
0x1a0: {  	[tilespmem:s10], [sflag:$0x1] =	stream.indirect.gather [hbm4b:s26+s2], $0x1, s28, s2, $0xb8;
	[tilespmem:$0x4800] =	vst v63  }
0x1a1: {  	s1 =	rddreg [dreg:$0x8]  }
0x1a2: {  	[tilespmem:s1], [sflag:$0x2] =	stream.indirect.gather [hbm4b:s26+s2], $0x1, s29, s2, $0xb8;
	[tilespmem:$0x4800] =	vst v63  }
0x1a3: {  	s17 =	rddreg [dreg:$0x9]  }
0x1a4: {  	[tilespmem:s17], [sflag:$0x1] =	stream.indirect.gather [hbm4b:s25+s2], $0x1, s28, s2, $0xb8;
	[tilespmem:$0x4800] =	vst v63  }
0x1a5: {  	s9 =	rddreg [dreg:$0xa]  }
0x1a6: {  	[tilespmem:s9], [sflag:$0x2] =	stream.indirect.gather [hbm4b:s25+s2], $0x1, s29, s2, $0xb8;
	[tilespmem:$0x4800] =	vst v63  }
0x1a7: {  	s10 =	rddreg [dreg:$0xb]  }
0x1a8: {  	[tilespmem:s10], [sflag:$0x1] =	stream.indirect.gather [hbm4b:s24+s2], $0x1, s28, s2, $0xb8;
	[tilespmem:$0x4800] =	vst v63  }
0x1a9: {  	s17 =	rddreg [dreg:$0xc]  }
0x1aa: {  	[tilespmem:s17], [sflag:$0x2] =	stream.indirect.gather [hbm4b:s24+s2], $0x1, s29, s2, $0xb8;
	[tilespmem:$0x4800] =	vst v63  }
0x1ab: {  	s25 =	rddreg [dreg:$0xd]  }
0x1ac: {  	[tilespmem:s25], [sflag:$0x1] =	stream.indirect.gather [hbm4b:s23+s2], $0x1, s28, s2, $0xb8;
	[tilespmem:$0x4800] =	vst v63  }
0x1ad: {  	s26 =	rddreg [dreg:$0xe]  }
0x1ae: {  	[tilespmem:s26], [sflag:$0x2] =	stream.indirect.gather [hbm4b:s23+s2], $0x1, s29, s2, $0xb8;
	[tilespmem:$0x4800] =	vst v63  }
0x1af: {  	s9 =	rddreg [dreg:$0xf]  }
0x1b0: {  	[tilespmem:s9], [sflag:$0x1] =	stream.indirect.gather [hbm4b:s22+s2], $0x1, s28, s2, $0xb8;
	[tilespmem:$0x4800] =	vst v63  }
0x1b1: {  	s10 =	rddreg [dreg:$0x10]  }
0x1b2: {  	[tilespmem:s10], [sflag:$0x2] =	stream.indirect.gather [hbm4b:s22+s2], $0x1, s29, s2, $0xb8;
	[tilespmem:$0x4800] =	vst v63  }
0x1b3: {  	s17 =	rddreg [dreg:$0x11]  }
0x1b4: {  	[tilespmem:s17], [sflag:$0x1] =	stream.indirect.gather [hbm4b:s21+s2], $0x1, s28, s2, $0xb8;
	[tilespmem:$0x4800] =	vst v63  }
0x1b5: {  	s22 =	rddreg [dreg:$0x12]  }
0x1b6: {  	[tilespmem:s22], [sflag:$0x2] =	stream.indirect.gather [hbm4b:s21+s2], $0x1, s29, s2, $0xb8;
	[tilespmem:$0x4800] =	vst v63  }
0x1b7: {  	s23 =	rddreg [dreg:$0x13]  }
0x1b8: {  	[tilespmem:s23], [sflag:$0x1] =	stream.indirect.gather [hbm4b:s20+s2], $0x1, s28, s2, $0xb8;
	[tilespmem:$0x4800] =	vst v63  }
0x1b9: {  	s24 =	rddreg [dreg:$0x14]  }
0x1ba: {  	[tilespmem:s24], [sflag:$0x2] =	stream.indirect.gather [hbm4b:s20+s2], $0x1, s29, s2, $0xb8;
	[tilespmem:$0x4800] =	vst v63  }
0x1bb: {  	s25 =	rddreg [dreg:$0x15]  }
0x1bc: {  	[tilespmem:s25], [sflag:$0x1] =	stream.indirect.gather [hbm4b:s19+s2], $0x1, s28, s2, $0xb8;
	[tilespmem:$0x4800] =	vst v63  }
0x1bd: {  	s26 =	rddreg [dreg:$0x16]  }
0x1be: {  	[tilespmem:s26], [sflag:$0x2] =	stream.indirect.gather [hbm4b:s19+s2], $0x1, s29, s2, $0xb8;
	[tilespmem:$0x4800] =	vst v63  }
0x1bf: {  	s9 =	rddreg [dreg:$0x17]  }
0x1c0: {  	[tilespmem:s9], [sflag:$0x1] =	stream.indirect.gather [hbm4b:s18+s2], $0x1, s28, s2, $0xb8;
	[tilespmem:$0x4800] =	vst v63  }
0x1c1: {  	s10 =	rddreg [dreg:$0x18]  }
0x1c2: {  	[tilespmem:s10], [sflag:$0x2] =	stream.indirect.gather [hbm4b:s18+s2], $0x1, s29, s2, $0xb8;
	[tilespmem:$0x4800] =	vst v63  }
0x1c3: {  	s17 =	rddreg [dreg:$0x19]  }
0x1c4: {  	[tilespmem:s17], [sflag:$0x1] =	stream.indirect.gather [hbm4b:s16+s2], $0x1, s28, s2, $0xb8;
	[tilespmem:$0x4800] =	vst v63  }
0x1c5: {  	s19 =	rddreg [dreg:$0x1a]  }
0x1c6: {  	[tilespmem:s19], [sflag:$0x2] =	stream.indirect.gather [hbm4b:s16+s2], $0x1, s29, s2, $0xb8;
	[tilespmem:$0x4800] =	vst v63  }
0x1c7: {  	s20 =	rddreg [dreg:$0x1b]  }
0x1c8: {  	[tilespmem:s20], [sflag:$0x1] =	stream.indirect.gather [hbm4b:s13+s2], $0x1, s28, s2, $0xb8;
	[tilespmem:$0x4800] =	vst v63  }
0x1c9: {  	s21 =	rddreg [dreg:$0x1c]  }
0x1ca: {  	[tilespmem:s21], [sflag:$0x2] =	stream.indirect.gather [hbm4b:s13+s2], $0x1, s29, s2, $0xb8;
	[tilespmem:$0x4800] =	vst v63  }
0x1cb: {  	s22 =	rddreg [dreg:$0x1d]  }
0x1cc: {  	[tilespmem:s22], [sflag:$0x1] =	stream.indirect.gather [hbm4b:s14+s2], $0x1, s28, s2, $0xb8;
	[tilespmem:$0x4800] =	vst v63  }
0x1cd: {  	s23 =	rddreg [dreg:$0x1e]  }
0x1ce: {  	[tilespmem:s3], [sflag:$0x2] =	stream.indirect.gather [hbm4b:s14+s2], $0x1, s29, s2, $0xb8;
	[tilespmem:$0x4800] =	vst v63  }
0x1cf: {  	s24 =	rddreg [dreg:$0x1f]  }
0x1d0: {  	[tilespmem:s23], [sflag:$0x1] =	stream.indirect.gather [hbm4b:s11+s2], $0x1, s28, s2, $0xb8;
	[tilespmem:$0x4800] =	vst v63  }
0x1d1: {  	s25 =	sld [smem:$0x7FC]  }
0x1d2: {  	[tilespmem:s24], [sflag:$0x2] =	stream.indirect.gather [hbm4b:s11+s2], $0x1, s29, s2, $0xb8;
	[tilespmem:$0x4800] =	vst v63  }
0x1d3: {  	s26 =	sld [smem:$0x7FD]  }
0x1d4: {  	[tilespmem:s25], [sflag:$0x1] =	stream.indirect.gather [hbm4b:s12+s2], $0x1, s28, s2, $0xb8;
	[tilespmem:$0x4800] =	vst v63  }
0x1d5: {  	_ = 	snop  }
0x1d6: {  	[tilespmem:s26], [sflag:$0x2] =	stream.indirect.gather [hbm4b:s12+s2], $0x1, s29, s2, $0xb8;
	[tilespmem:$0x4800] =	vst v63  }
0x1d7: {  	_ = 	snop  }
0x1d8: {  	[tilespmem:s31], [sflag:$0x1] =	stream.indirect.gather [hbm4b:s15+s2], $0x1, s28, s2, $0xb8;
	[tilespmem:$0x4800] =	vst v63  }
0x1d9: {  	_ = 	snop  }
0x1da: {  	[tilespmem:s30], [sflag:$0x2] =	stream.indirect.gather [hbm4b:s15+s2], $0x1, s29, s2, $0xb8;
	[tilespmem:$0x4800] =	vst v63  }
0x1db: {  	_ =	swait.ge [sflag:s8], $0x200  }
0x1dc: {  	[sflag:s8] =	ssyncset.done $0x0  }
0x1dd: {  	[sflag:s8] =	ssyncadd.s32 $0xFFFFFE00  }
0x1de: {  	_ =	swait.ge [sflag:s6], $0x200  }
0x1df: {  	[sflag:s6] =	ssyncset.done $0x0  }
0x1e0: {  	[sflag:s6] =	ssyncadd.s32 $0xFFFFFE00  }
0x1e1: {  	_ =	swait.ge [sflag:s8], $0x200  }
0x1e2: {  	[sflag:s8] =	ssyncset.done $0x0  }
0x1e3: {  	[sflag:s8] =	ssyncadd.s32 $0xFFFFFE00  }
0x1e4: {  	_ =	swait.ge [sflag:s6], $0x200  }
0x1e5: {  	[sflag:s6] =	ssyncset.done $0x0  }
0x1e6: {  	[sflag:s6] =	ssyncadd.s32 $0xFFFFFE00  }
0x1e7: {  	_ =	swait.ge [sflag:s8], $0x200  }
0x1e8: {  	[sflag:s8] =	ssyncset.done $0x0  }
0x1e9: {  	[sflag:s8] =	ssyncadd.s32 $0xFFFFFE00  }
0x1ea: {  	_ =	swait.ge [sflag:s6], $0x200  }
0x1eb: {  	[sflag:s6] =	ssyncset.done $0x0  }
0x1ec: {  	[sflag:s6] =	ssyncadd.s32 $0xFFFFFE00  }
0x1ed: {  	_ =	swait.ge [sflag:s8], $0x200  }
0x1ee: {  	[sflag:s8] =	ssyncset.done $0x0  }
0x1ef: {  	[sflag:s8] =	ssyncadd.s32 $0xFFFFFE00  }
0x1f0: {  	_ =	swait.ge [sflag:s6], $0x200  }
0x1f1: {  	[sflag:s6] =	ssyncset.done $0x0  }
0x1f2: {  	[sflag:s6] =	ssyncadd.s32 $0xFFFFFE00  }
0x1f3: {  	_ =	swait.ge [sflag:s8], $0x200  }
0x1f4: {  	[sflag:s8] =	ssyncset.done $0x0  }
0x1f5: {  	[sflag:s8] =	ssyncadd.s32 $0xFFFFFE00  }
0x1f6: {  	_ =	swait.ge [sflag:s6], $0x200  }
0x1f7: {  	[sflag:s6] =	ssyncset.done $0x0  }
0x1f8: {  	[sflag:s6] =	ssyncadd.s32 $0xFFFFFE00  }
0x1f9: {  	_ =	swait.ge [sflag:s8], $0x200  }
0x1fa: {  	[sflag:s8] =	ssyncset.done $0x0  }
0x1fb: {  	[sflag:s8] =	ssyncadd.s32 $0xFFFFFE00  }
0x1fc: {  	_ =	swait.ge [sflag:s6], $0x200  }
0x1fd: {  	[sflag:s6] =	ssyncset.done $0x0  }
0x1fe: {  	[sflag:s6] =	ssyncadd.s32 $0xFFFFFE00  }
0x1ff: {  	_ =	swait.ge [sflag:s8], $0x200  }
0x200: {  	[sflag:s8] =	ssyncset.done $0x0  }
0x201: {  	[sflag:s8] =	ssyncadd.s32 $0xFFFFFE00  }
0x202: {  	_ =	swait.ge [sflag:s6], $0x200  }
0x203: {  	[sflag:s6] =	ssyncset.done $0x0  }
0x204: {  	[sflag:s6] =	ssyncadd.s32 $0xFFFFFE00  }
0x205: {  	_ =	swait.ge [sflag:s8], $0x200  }
0x206: {  	[sflag:s8] =	ssyncset.done $0x0  }
0x207: {  	[sflag:s8] =	ssyncadd.s32 $0xFFFFFE00  }
0x208: {  	_ =	swait.ge [sflag:s6], $0x200  }
0x209: {  	[sflag:s6] =	ssyncset.done $0x0  }
0x20a: {  	[sflag:s6] =	ssyncadd.s32 $0xFFFFFE00  }
0x20b: {  	_ =	swait.ge [sflag:s8], $0x200  }
0x20c: {  	[sflag:s8] =	ssyncset.done $0x0  }
0x20d: {  	[sflag:s8] =	ssyncadd.s32 $0xFFFFFE00  }
0x20e: {  	_ =	swait.ge [sflag:s6], $0x200  }
0x20f: {  	[sflag:s6] =	ssyncset.done $0x0  }
0x210: {  	[sflag:s6] =	ssyncadd.s32 $0xFFFFFE00  }
0x211: {  	_ =	swait.ge [sflag:s8], $0x200  }
0x212: {  	[sflag:s8] =	ssyncset.done $0x0  }
0x213: {  	[sflag:s8] =	ssyncadd.s32 $0xFFFFFE00  }
0x214: {  	_ =	swait.ge [sflag:s6], $0x200  }
0x215: {  	[sflag:s6] =	ssyncset.done $0x0  }
0x216: {  	[sflag:s6] =	ssyncadd.s32 $0xFFFFFE00  }
0x217: {  	_ =	swait.ge [sflag:s8], $0x200  }
0x218: {  	[sflag:s8] =	ssyncset.done $0x0  }
0x219: {  	[sflag:s8] =	ssyncadd.s32 $0xFFFFFE00  }
0x21a: {  	_ =	swait.ge [sflag:s6], $0x200  }
0x21b: {  	[sflag:s6] =	ssyncset.done $0x0  }
0x21c: {  	[sflag:s6] =	ssyncadd.s32 $0xFFFFFE00  }
0x21d: {  	_ =	swait.ge [sflag:s8], $0x200  }
0x21e: {  	[sflag:s8] =	ssyncset.done $0x0  }
0x21f: {  	[sflag:s8] =	ssyncadd.s32 $0xFFFFFE00  }
0x220: {  	_ =	swait.ge [sflag:s6], $0x200  }
0x221: {  	[sflag:s6] =	ssyncset.done $0x0  }
0x222: {  	[sflag:s6] =	ssyncadd.s32 $0xFFFFFE00  }
0x223: {  	_ =	swait.ge [sflag:s8], $0x200  }
0x224: {  	[sflag:s8] =	ssyncset.done $0x0  }
0x225: {  	[sflag:s8] =	ssyncadd.s32 $0xFFFFFE00  }
0x226: {  	_ =	swait.ge [sflag:s6], $0x200  }
0x227: {  	[sflag:s6] =	ssyncset.done $0x0  }
0x228: {  	[sflag:s6] =	ssyncadd.s32 $0xFFFFFE00  }
0x229: {  	_ =	swait.ge [sflag:s8], $0x200  }
0x22a: {  	[sflag:s8] =	ssyncset.done $0x0  }
0x22b: {  	[sflag:s8] =	ssyncadd.s32 $0xFFFFFE00  }
0x22c: {  	_ =	swait.ge [sflag:s6], $0x200  }
0x22d: {  	[sflag:s6] =	ssyncset.done $0x0  }
0x22e: {  	[sflag:s6] =	ssyncadd.s32 $0xFFFFFE00  }
0x22f: {  	_ =	swait.ge [sflag:s8], $0x200  }
0x230: {  	[sflag:s8] =	ssyncset.done $0x0  }
0x231: {  	[sflag:s8] =	ssyncadd.s32 $0xFFFFFE00  }
0x232: {  	_ =	swait.ge [sflag:s6], $0x200  }
0x233: {  	[sflag:s6] =	ssyncset.done $0x0  }
0x234: {  	[sflag:s6] =	ssyncadd.s32 $0xFFFFFE00  }
0x235: {  	_ =	swait.ge [sflag:s8], $0x200  }
0x236: {  	[sflag:s8] =	ssyncset.done $0x0  }
0x237: {  	[sflag:s8] =	ssyncadd.s32 $0xFFFFFE00  }
0x238: {  	_ =	swait.ge [sflag:s6], $0x200  }
0x239: {  	[sflag:s6] =	ssyncset.done $0x0  }
0x23a: {  	s29 =	rddreg [dreg:$0x5];
	[sflag:s6] =	ssyncadd.s32 $0xFFFFFE00  }
0x23b: {  	[hbm4b:s29+s2] =	stream.strided.scatter [tilespmem:s7], [sflag:$0x3], $0x2000, s3, s2, $0x38;
	[tilespmem:$0x4800] =	vst v63  }
0x23c: {  	_ =	swait.ge [sflag:s4], $0x2000  }
0x23d: {  	[sflag:s4] =	ssyncset.done $0x0  }
0x23e: {  	s30 =	rddreg [dreg:$0x6];
	[sflag:s4] =	ssyncadd.s32 $0xFFFFE000  }
0x23f: {  	[hbm4b:s30+s2] =	stream.strided.scatter [tilespmem:s5], [sflag:$0x3], $0x2000, s3, s2, $0x38;
	[tilespmem:$0x4800] =	vst v63  }
0x240: {  	_ =	swait.ge [sflag:s4], $0x2000  }
0x241: {  	[sflag:s4] =	ssyncset.done $0x0  }
0x242: {  	[sflag:s4] =	ssyncadd.s32 $0xFFFFE000  }
0x243: {  	_ =	sfence.sel $0x180000  }
0x244: {  	[bflag:$0x0] =	sbarrier.arrive $0xFFFF  }
0x245: {  	_ =	strace $0x90000047  }
0x246: {  	s31 =	stileid.u32;
	[bflag:$0x2] =	sbarrier.arrive $0xFFFF  }
0x247: {  	p0 =	sne.s32 s31, $0x0;
	s0 =	rddreg [dreg:$0x3]  }
0x248: {  	s0 =	sadd.s32 @!p0 $0x100000, s0  }
0x249: {  	[sflag:s0] =	ssyncadd.tile.s32 @!p0 $0x1;
	_ =	shalt  }
.LBB2_1:
.Ltmp3:
0x24a: {  	(pc) =	sbr.rel .LBB2_6-.Ltmp3, $2  }
0x24b: {  	_ =	sdelay $0x2  }
0x24c: {  	s30 =	simm.s32 $0x4600;
	s31 =	simm.s32 $0x2600  }
.LBB2_3:
.Ltmp4:
0x24d: {  	(pc) =	sbr.rel .LBB2_6-.Ltmp4, $2  }
0x24e: {  	_ =	sdelay $0x2  }
0x24f: {  	s30 =	simm.s32 $0x4600;
	s31 =	simm.s32 $0x2600  }
.Lfunc_end2:
_tile_overlayer_lowered:
.L_overlay_start_2:
0x250: {  	(tag) =	ssettag $0x2  }
0x251: {  	s0 =	rddreg [dreg:$0x0];
	s2 =	stileid.u32  }
0x252: {  	s1 =	rddreg [dreg:$0x1];
	p0 =	sne.s32 s2, $0x0  }
0x253: {  	s3 =	rddreg [dreg:$0x2];
	[bflag:$0x3] =	sbarrier.arrive $0xFFFF;
	s2 =	simm.s32 @!p0 $0x1C03  }
0x254: {  	[timem:s3], [sflag:s2] =	dma.local @!p0 [hbm:s0], s1  }
0x255: {  	s0 =	simm.s32 @!p0 $0x3  }
0x256: {  	_ =	swait.ge @!p0 [sflag:s0], s1  }
0x257: {  	s1 =	ssub.s32 @!p0 $0x0, s1;
	[sflag:s0] =	ssyncset.done @!p0 $0x0  }
0x258: {  	[sflag:s0] =	ssyncadd.s32 @!p0 s1  }
0x259: {  	[bflag:$0x3] =	sbarrier.arrive $0xFFFF  }
0x25a: {  	_ =	shalt  }

</sc_bundles>
